<compile_context>
chip_gen: v7x
topology: tpu7x:2x2x1
jax: 0.10.2.dev20260603
libtpu: 0.0.44.dev20260713+nightly
codegen_flags: <defaults>
</compile_context>

<pallas_src>
import functools

import jax
import jax.numpy as jnp
from jax import lax
from jax.experimental import pallas as pl
from jax.experimental.pallas import tpu as pltpu
from jax.experimental.pallas import tpu_sc as plsc

N = 10000
E = 320000
D_IN = 128
D_HID = 256
D_OUT = 128

NCORE = 2
NSUB = 16
N_PAD = 10240
ROWS_PER_TILE = N_PAD // NSUB
DEG_PAD = 10240
DEG_TILE = DEG_PAD // NSUB
DEG_K = 2000
AGG_K = 184
NBUF = 2
E_PAD = 329728
ROW_BLK = 1024


def _sc_mesh():
    return plsc.VectorSubcoreMesh(core_axis_name="c", subcore_axis_name="s")



def _deg_body(dst_hbm, degp_hbm, didx, ones_v, zbuf, dacc):
    c = lax.axis_index("c")
    s = lax.axis_index("s")

    def fill_z(i, _):
        zbuf[pl.ds(i * 16, 16)] = jnp.zeros((16,), jnp.float32)
        return 0

    lax.fori_loop(0, DEG_TILE // 16, fill_z, 0)

    def fill_o(i, _):
        ones_v[pl.ds(i * 16, 16)] = jnp.ones((16,), jnp.float32)
        return 0

    lax.fori_loop(0, DEG_K // 16, fill_o, 0)

    pltpu.sync_copy(zbuf, dacc.at[pl.ds(s * DEG_TILE, DEG_TILE)])
    plsc.subcore_barrier()

    edges_per_core = E // NCORE
    edges_per_tile = edges_per_core // NSUB
    base = c * edges_per_core + s * edges_per_tile

    def body(i, _):
        pltpu.sync_copy(dst_hbm.at[pl.ds(base + i * DEG_K, DEG_K)], didx)
        pltpu.sync_copy(ones_v, dacc.at[didx], add=True)
        return 0

    lax.fori_loop(0, edges_per_tile // DEG_K, body, 0)
    plsc.subcore_barrier()
    pltpu.sync_copy(dacc.at[pl.ds(s * DEG_TILE, DEG_TILE)], degp_hbm.at[c, s])


_deg_call = pl.kernel(
    _deg_body,
    out_type=jax.ShapeDtypeStruct((NCORE, NSUB, DEG_TILE), jnp.float32),
    mesh=_sc_mesh(),
    scratch_types=[
        pltpu.VMEM((DEG_K,), jnp.int32),
        pltpu.VMEM((DEG_K,), jnp.float32),
        pltpu.VMEM((DEG_TILE,), jnp.float32),
        pltpu.VMEM_SHARED((DEG_PAD,), jnp.float32),
    ],
)



def _edge_loop(g_ref, src_hbm, dst_hbm, acc,
               sx, dx, rx, sems, base, n_chunks):

    def prefetch(c, b):
        off = base + c * AGG_K
        pltpu.sync_copy(src_hbm.at[pl.ds(off, AGG_K)], sx[b])
        pltpu.sync_copy(dst_hbm.at[pl.ds(off, AGG_K)], dx[b])
        pltpu.async_copy(g_ref.at[sx[b]], rx[b], sems[b])

    for b in range(NBUF - 1):
        prefetch(b, b)

    def outer(g, _):
        for b in range(NBUF):
            c = g * NBUF + b

            @pl.when(c + NBUF - 1 < n_chunks)
            def _():
                prefetch(c + NBUF - 1, (b + NBUF - 1) % NBUF)

            pltpu.make_async_copy(g_ref.at[sx[b]], rx[b], sems[b]).wait()
            pltpu.sync_copy(rx[b], acc.at[dx[b]], add=True)
        return 0

    lax.fori_loop(0, n_chunks // NBUF, outer, 0)


def _agg_body(dh, g0, g1, src_hbm, dst_hbm, o0, o1, *scr):
    sx = scr[0:NBUF]
    dx = scr[NBUF:2 * NBUF]
    rx = scr[2 * NBUF:3 * NBUF]
    acc = scr[3 * NBUF]
    sems = scr[3 * NBUF + 1:]
    c = lax.axis_index("c")
    s = lax.axis_index("s")
    edges_per_tile = E_PAD // NSUB

    def run(g_ref, o_ref):
        pltpu.sync_copy(
            g_ref.at[pl.ds(s * ROWS_PER_TILE, ROWS_PER_TILE)],
            acc.at[pl.ds(s * ROWS_PER_TILE, ROWS_PER_TILE)],
        )
        plsc.subcore_barrier()
        _edge_loop(g_ref, src_hbm, dst_hbm, acc,
                   sx, dx, rx, sems,
                   s * edges_per_tile, edges_per_tile // AGG_K)
        plsc.subcore_barrier()
        pltpu.sync_copy(
            acc.at[pl.ds(s * ROWS_PER_TILE, ROWS_PER_TILE)],
            o_ref.at[pl.ds(s * ROWS_PER_TILE, ROWS_PER_TILE)],
        )

    @pl.when(c == 0)
    def _():
        run(g0, o0)

    @pl.when(c == 1)
    def _():
        run(g1, o1)


def _make_agg(dh):
    return pl.kernel(
        functools.partial(_agg_body, dh),
        out_type=(
            jax.ShapeDtypeStruct((N_PAD, dh), jnp.float32),
            jax.ShapeDtypeStruct((N_PAD, dh), jnp.float32),
        ),
        mesh=_sc_mesh(),
        scratch_types=(
            [pltpu.VMEM((AGG_K,), jnp.int32)] * (2 * NBUF)
            + [pltpu.VMEM((AGG_K, dh), jnp.float32)] * NBUF
            + [pltpu.VMEM_SHARED((N_PAD, dh), jnp.float32)]
            + [pltpu.SemaphoreType.DMA] * NBUF
        ),
    )


_agg_hid = _make_agg(D_HID // 2)



def _agg_full_body(g, src_hbm, dst_hbm, o0, o1, *scr):
    sx = scr[0:NBUF]
    dx = scr[NBUF:2 * NBUF]
    rx = scr[2 * NBUF:3 * NBUF]
    acc = scr[3 * NBUF]
    sems = scr[3 * NBUF + 1:]
    c = lax.axis_index("c")
    s = lax.axis_index("s")

    pltpu.sync_copy(
        g.at[pl.ds(s * ROWS_PER_TILE, ROWS_PER_TILE)],
        acc.at[pl.ds(s * ROWS_PER_TILE, ROWS_PER_TILE)],
    )
    plsc.subcore_barrier()

    edges_per_core = E_PAD // NCORE
    edges_per_tile = edges_per_core // NSUB
    base = c * edges_per_core + s * edges_per_tile
    _edge_loop(g, src_hbm, dst_hbm, acc,
               sx, dx, rx, sems,
               base, edges_per_tile // AGG_K)
    plsc.subcore_barrier()

    @pl.when(c == 0)
    def _():
        pltpu.sync_copy(
            acc.at[pl.ds(s * ROWS_PER_TILE, ROWS_PER_TILE)],
            o0.at[pl.ds(s * ROWS_PER_TILE, ROWS_PER_TILE)],
        )

    @pl.when(c == 1)
    def _():
        pltpu.sync_copy(
            acc.at[pl.ds(s * ROWS_PER_TILE, ROWS_PER_TILE)],
            o1.at[pl.ds(s * ROWS_PER_TILE, ROWS_PER_TILE)],
        )


_agg_out = pl.kernel(
    _agg_full_body,
    out_type=(
        jax.ShapeDtypeStruct((N_PAD, D_OUT), jnp.float32),
        jax.ShapeDtypeStruct((N_PAD, D_OUT), jnp.float32),
    ),
    mesh=_sc_mesh(),
    scratch_types=(
        [pltpu.VMEM((AGG_K,), jnp.int32)] * (2 * NBUF)
        + [pltpu.VMEM((AGG_K, D_OUT), jnp.float32)] * NBUF
        + [pltpu.VMEM_SHARED((N_PAD, D_OUT), jnp.float32)]
        + [pltpu.SemaphoreType.DMA] * NBUF
    ),
)



def _dinv_body(degp_ref, out_ref):
    out_ref[...] = lax.rsqrt(degp_ref[0] + degp_ref[1] + 1.0)


def _tc1_body(x_ref, w_ref, dinv_ref, g0_ref, g1_ref):
    h = jnp.dot(x_ref[...], w_ref[...], preferred_element_type=jnp.float32)
    g = h * dinv_ref[...]
    g0_ref[...] = g[:, : D_HID // 2]
    g1_ref[...] = g[:, D_HID // 2 :]


def _tc2_body(a0_ref, a1_ref, dinv_ref, b1_ref, w2_ref, g2_ref):
    agg = jnp.concatenate([a0_ref[...], a1_ref[...]], axis=1)
    h = agg * dinv_ref[...] + b1_ref[...]
    h = jnp.where(h > 0, h, jnp.exp(jnp.minimum(h, 0.0)) - 1.0)
    h2 = jnp.dot(h, w2_ref[...], preferred_element_type=jnp.float32)
    g2_ref[...] = h2 * dinv_ref[...]


def _tc3_body(o0_ref, o1_ref, g2_ref, dinv_ref, b2_ref, out_ref):
    agg = o0_ref[...] + o1_ref[...] - g2_ref[...]
    h = agg * dinv_ref[...] + b2_ref[...]
    out_ref[...] = jnp.where(h > 0, h, jnp.exp(jnp.minimum(h, 0.0)) - 1.0)


_GRID = N_PAD // ROW_BLK


def _row_spec(d):
    return pl.BlockSpec((ROW_BLK, d), lambda i: (i, 0))


def _full_spec(r, d):
    return pl.BlockSpec((r, d), lambda i: (0, 0))


_dinv_call = pl.pallas_call(
    _dinv_body,
    out_shape=jax.ShapeDtypeStruct((DEG_PAD // 128, 128), jnp.float32),
    in_specs=[pl.BlockSpec((NCORE, DEG_PAD // 128, 128), lambda: (0, 0, 0))],
    out_specs=pl.BlockSpec((DEG_PAD // 128, 128), lambda: (0, 0)),
)

_tc1_call = pl.pallas_call(
    _tc1_body,
    grid=(_GRID,),
    out_shape=(
        jax.ShapeDtypeStruct((N_PAD, D_HID // 2), jnp.float32),
        jax.ShapeDtypeStruct((N_PAD, D_HID // 2), jnp.float32),
    ),
    in_specs=[
        _row_spec(D_IN),
        _full_spec(D_IN, D_HID),
        _row_spec(1),
    ],
    out_specs=(_row_spec(D_HID // 2), _row_spec(D_HID // 2)),
)

_tc2_call = pl.pallas_call(
    _tc2_body,
    grid=(_GRID,),
    out_shape=jax.ShapeDtypeStruct((N_PAD, D_OUT), jnp.float32),
    in_specs=[
        _row_spec(D_HID // 2),
        _row_spec(D_HID // 2),
        _row_spec(1),
        _full_spec(1, D_HID),
        _full_spec(D_HID, D_OUT),
    ],
    out_specs=_row_spec(D_OUT),
)

_tc3_call = pl.pallas_call(
    _tc3_body,
    grid=(_GRID,),
    out_shape=jax.ShapeDtypeStruct((N_PAD, D_OUT), jnp.float32),
    in_specs=[
        _row_spec(D_OUT),
        _row_spec(D_OUT),
        _row_spec(D_OUT),
        _row_spec(1),
        _full_spec(1, D_OUT),
    ],
    out_specs=_row_spec(D_OUT),
)



def kernel(x, edge_index, W1, b1, W2, b2):
    pad_iota = jnp.arange(E_PAD - E, dtype=jnp.int32)
    src = jnp.concatenate([edge_index[0], pad_iota % N])
    dst = jnp.concatenate([edge_index[1], N + pad_iota % (N_PAD - N)])

    degp = _deg_call(edge_index[1])
    degp = degp.reshape(NCORE, DEG_PAD // 128, 128)
    dinv = _dinv_call(degp)
    dinv = dinv.reshape(N_PAD, 1)

    xp = jnp.pad(x, ((0, N_PAD - N), (0, 0)))
    g0, g1 = _tc1_call(xp, W1, dinv)
    a0, a1 = _agg_hid(g0, g1, src, dst)
    g2 = _tc2_call(a0, a1, dinv, b1.reshape(1, -1), W2)
    o0, o1 = _agg_out(g2, src, dst)
    out = _tc3_call(o0, o1, g2, dinv, b2.reshape(1, -1))
    return out[:N]

# --- scband reference (transcript-rebuilt; emitter-appended) ---
"""Pipeline reference for scband-contrastive-projection-graph-67396626808851 (READ-ONLY COPY).

The authoritative reference and input builder live on the scoring server;
editing this copy changes nothing except your own understanding.
"""

import jax, jax.numpy as jnp
import numpy as np

N = 10000
E = 320000
D_IN = 128
D_HID = 256
D_OUT = 128


def setup_inputs(seed: int = 0) -> dict:
    key = jax.random.key(seed)
    ks = jax.random.split(key, 6)
    x = jax.random.normal(ks[0], (N, D_IN), dtype=jnp.float32)
    edge_index = jax.random.randint(ks[1], (2, E), 0, N, dtype=jnp.int32)

    def glorot(k, fi, fo):
        s = (6.0 / (fi + fo)) ** 0.5
        return jax.random.uniform(k, (fi, fo), jnp.float32, -s, s)

    W1 = glorot(ks[2], D_IN, D_HID)
    b1 = jnp.zeros((D_HID,), jnp.float32)
    W2 = glorot(ks[3], D_HID, D_OUT)
    b2 = jnp.zeros((D_OUT,), jnp.float32)
    return {"x": x, "edge_index": edge_index, "W1": W1, "b1": b1, "W2": W2, "b2": b2}


def _gcn_conv(x, src, dst, W, b, n):
    # PyG GCNConv: linear transform, symmetric normalization with self-loops, scatter-add aggregation, bias
    h = x @ W
    deg = jnp.zeros((n,), h.dtype).at[dst].add(1.0)
    dinv = jnp.where(deg > 0, 1.0 / jnp.sqrt(deg), 0.0)
    norm = dinv[src] * dinv[dst]
    msgs = h[src] * norm[:, None]
    out = jnp.zeros_like(h).at[dst].add(msgs)
    return out + b


def reference(x, edge_index, W1, b1, W2, b2):
    n = x.shape[0]
    sl = jnp.arange(n, dtype=edge_index.dtype)
    src = jnp.concatenate([edge_index[0], sl])
    dst = jnp.concatenate([edge_index[1], sl])
    h = jax.nn.elu(_gcn_conv(x, src, dst, W1, b1, n))
    h = jax.nn.elu(_gcn_conv(h, src, dst, W2, b2, n))
    return h

if __name__ == "__main__":
    import jax
    _d = setup_inputs()
    print(jax.jit(kernel)(*tuple(_d.values())))

</pallas_src>

<mosaic_0001>
#map = affine_map<(d0, d1) -> (0)>
#map1 = affine_map<(d0, d1) -> (0, 0, 0)>
module attributes {stable_mosaic.version = 14 : i64} {
  func.func @_deg_body(%arg0: i32, %arg1: i32, %arg2: memref<320000xi32, #tpu.memory_space<hbm>>, %arg3: memref<2x16x640xf32, #tpu.memory_space<hbm>>, %arg4: memref<2000xi32, #tpu.memory_space<vmem>>, %arg5: memref<2000xf32, #tpu.memory_space<vmem>>, %arg6: memref<640xf32, #tpu.memory_space<vmem>>, %arg7: memref<10240xf32, #tpu.memory_space<vmem_shared>>) attributes {dimension_semantics = [#tpu.dimension_semantics<core_parallel>, #tpu.dimension_semantics<subcore_parallel>], iteration_bounds = array<i64: 2, 16>, scalar_prefetch = 0 : i64, scratch_operands = 4 : i64, tpu.core_type = #tpu.core_type<sc_vector_subcore>, window_params = [{transform_indices = #map}, {transform_indices = #map1}]} {
    %scan3A = arith.constant 0 : i32
    %scan3A_0 = arith.constant 0 : i32
    %scan3A_1 = arith.constant 40 : i32
    %scan3A_2 = arith.addi %scan3A_0, %scan3A_1 : i32
    %scan3A_3 = arith.constant 1 : i32
    %scan3A_4 = scf.for %scan3A_28 = %scan3A_0 to %scan3A_2 step %scan3A_3 iter_args(%scan3A_29 = %scan3A) -> (i32)  : i32 {
      %broadcast_in_dim3A = arith.constant 0.000000e+00 : f32
      %broadcast_in_dim3A_30 = vector.broadcast %broadcast_in_dim3A : f32 to vector<16xf32>
      %mul3A_31 = arith.constant 16 : i32
      %mul3A_32 = arith.muli %scan3A_28, %mul3A_31 : i32
      %swap3A = arith.index_cast %mul3A_32 : i32 to index
      %swap3A_33 = tpu.vector_load %arg6[%swap3A] {strides = array<i32>} : memref<640xf32, #tpu.memory_space<vmem>>, vector<16xf32>,
      %swap3A_34 = vector.shape_cast %swap3A_33 : vector<16xf32> to vector<16xf32>
      %swap3A_35 = vector.shape_cast %broadcast_in_dim3A_30 : vector<16xf32> to vector<16xf32>
      tpu.vector_store %arg6[%swap3A], %swap3A_35 {strides = array<i32>} : memref<640xf32, #tpu.memory_space<vmem>>, vector<16xf32>,
      %scan3A_36 = arith.constant 0 : i32
      scf.yield %scan3A_36 : i32
    }
    %scan3A_5 = arith.constant 40 : i32
    %scan3A_6 = arith.constant 0 : i32
    %scan3A_7 = arith.constant 0 : i32
    %scan3A_8 = arith.constant 125 : i32
    %scan3A_9 = arith.addi %scan3A_7, %scan3A_8 : i32
    %scan3A_10 = arith.constant 1 : i32
    %scan3A_11 = scf.for %scan3A_28 = %scan3A_7 to %scan3A_9 step %scan3A_10 iter_args(%scan3A_29 = %scan3A_6) -> (i32)  : i32 {
      %broadcast_in_dim3A = arith.constant 1.000000e+00 : f32
      %broadcast_in_dim3A_30 = vector.broadcast %broadcast_in_dim3A : f32 to vector<16xf32>
      %mul3A_31 = arith.constant 16 : i32
      %mul3A_32 = arith.muli %scan3A_28, %mul3A_31 : i32
      %swap3A = arith.index_cast %mul3A_32 : i32 to index
      %swap3A_33 = tpu.vector_load %arg5[%swap3A] {strides = array<i32>} : memref<2000xf32, #tpu.memory_space<vmem>>, vector<16xf32>,
      %swap3A_34 = vector.shape_cast %swap3A_33 : vector<16xf32> to vector<16xf32>
      %swap3A_35 = vector.shape_cast %broadcast_in_dim3A_30 : vector<16xf32> to vector<16xf32>
      tpu.vector_store %arg5[%swap3A], %swap3A_35 {strides = array<i32>} : memref<2000xf32, #tpu.memory_space<vmem>>, vector<16xf32>,
      %scan3A_36 = arith.constant 0 : i32
      scf.yield %scan3A_36 : i32
    }
    %scan3A_12 = arith.constant 125 : i32
    %mul3A = arith.constant 640 : i32
    %mul3A_13 = arith.muli %arg1, %mul3A : i32
    "tpu.region"() ({
      %run_scoped3A = tpu.sem_alloc : memref<!tpu.dma_semaphore, #tpu.memory_space<semaphore_mem>>
      %dma_start3A = tpu.memref_slice %arg7[%mul3A_13] : memref<10240xf32, #tpu.memory_space<vmem_shared>> -> memref<640xf32, #tpu.memory_space<vmem_shared>>
      %dma_start3A_28 = tpu.memref_slice %arg7[%mul3A_13] : memref<10240xf32, #tpu.memory_space<vmem_shared>> -> memref<640xf32, #tpu.memory_space<vmem_shared>>
      tpu.enqueue_dma source(%arg6 : memref<640xf32, #tpu.memory_space<vmem>>) target(%dma_start3A_28 : memref<640xf32, #tpu.memory_space<vmem_shared>>) target_semaphore(%run_scoped3A : memref<!tpu.dma_semaphore, #tpu.memory_space<semaphore_mem>>)
      %dma_wait3A = tpu.memref_slice %arg7[%mul3A_13] : memref<10240xf32, #tpu.memory_space<vmem_shared>> -> memref<640xf32, #tpu.memory_space<vmem_shared>>
      %dma_wait3A_29 = tpu.memref_slice %arg7[%mul3A_13] : memref<10240xf32, #tpu.memory_space<vmem_shared>> -> memref<640xf32, #tpu.memory_space<vmem_shared>>
      tpu.wait_dma2 semaphore(%run_scoped3A : memref<!tpu.dma_semaphore, #tpu.memory_space<semaphore_mem>>) src(%arg6 : memref<640xf32, #tpu.memory_space<vmem>>) dst(%dma_wait3A_29 : memref<640xf32, #tpu.memory_space<vmem_shared>>)
      tpu.yield
    }) : () -> ()
    %barrier3A = arith.constant 0 : index
    tpu.barrier barrier_id(%barrier3A)
    %mul3A_14 = arith.constant 160000 : i32
    %mul3A_15 = arith.muli %arg0, %mul3A_14 : i32
    %mul3A_16 = arith.constant 10000 : i32
    %mul3A_17 = arith.muli %arg1, %mul3A_16 : i32
    %add3A = arith.addi %mul3A_15, %mul3A_17 : i32
    %scan3A_18 = arith.constant 0 : i32
    %scan3A_19 = arith.constant 0 : i32
    %scan3A_20 = arith.constant 5 : i32
    %scan3A_21 = arith.addi %scan3A_19, %scan3A_20 : i32
    %scan3A_22 = arith.constant 1 : i32
    %scan3A_23 = scf.for %scan3A_28 = %scan3A_19 to %scan3A_21 step %scan3A_22 iter_args(%scan3A_29 = %scan3A_18) -> (i32)  : i32 {
      %mul3A_30 = arith.constant 2000 : i32
      %mul3A_31 = arith.muli %scan3A_28, %mul3A_30 : i32
      %add3A_32 = arith.addi %add3A, %mul3A_31 : i32
      "tpu.region"() ({
        %run_scoped3A = tpu.sem_alloc : memref<!tpu.dma_semaphore, #tpu.memory_space<semaphore_mem>>
        %dma_start3A = tpu.memref_slice %arg2[%add3A_32] : memref<320000xi32, #tpu.memory_space<hbm>> -> memref<2000xi32, #tpu.memory_space<hbm>>
        %dma_start3A_34 = tpu.memref_slice %arg2[%add3A_32] : memref<320000xi32, #tpu.memory_space<hbm>> -> memref<2000xi32, #tpu.memory_space<hbm>>
        tpu.enqueue_dma source(%dma_start3A_34 : memref<2000xi32, #tpu.memory_space<hbm>>) target(%arg4 : memref<2000xi32, #tpu.memory_space<vmem>>) target_semaphore(%run_scoped3A : memref<!tpu.dma_semaphore, #tpu.memory_space<semaphore_mem>>)
        %dma_wait3A = tpu.memref_slice %arg2[%add3A_32] : memref<320000xi32, #tpu.memory_space<hbm>> -> memref<2000xi32, #tpu.memory_space<hbm>>
        %dma_wait3A_35 = tpu.memref_slice %arg2[%add3A_32] : memref<320000xi32, #tpu.memory_space<hbm>> -> memref<2000xi32, #tpu.memory_space<hbm>>
        tpu.wait_dma2 semaphore(%run_scoped3A : memref<!tpu.dma_semaphore, #tpu.memory_space<semaphore_mem>>) src(%dma_wait3A_35 : memref<2000xi32, #tpu.memory_space<hbm>>) dst(%arg4 : memref<2000xi32, #tpu.memory_space<vmem>>)
        tpu.yield
      }) : () -> ()
      "tpu.region"() ({
        %run_scoped3A = tpu.sem_alloc : memref<!tpu.dma_semaphore, #tpu.memory_space<semaphore_mem>>
        %dma_start3A = arith.constant 0 : i32
        %dma_start3A_34 = tpu.memref_slice %arg7[%dma_start3A] : memref<10240xf32, #tpu.memory_space<vmem_shared>> -> memref<10240xf32, #tpu.memory_space<vmem_shared>>
        tpu.enqueue_indirect_dma source(%arg5 : memref<2000xf32, #tpu.memory_space<vmem>>) target(%dma_start3A_34 : memref<10240xf32, #tpu.memory_space<vmem_shared>>) offsets(%arg4 : memref<2000xi32, #tpu.memory_space<vmem>>) semaphore(%run_scoped3A : memref<!tpu.dma_semaphore, #tpu.memory_space<semaphore_mem>>) {add = true}
        %dma_wait3A = arith.constant 0 : i32
        %dma_wait3A_35 = tpu.memref_slice %arg7[%dma_wait3A] : memref<10240xf32, #tpu.memory_space<vmem_shared>> -> memref<10240xf32, #tpu.memory_space<vmem_shared>>
        tpu.wait_indirect_dma semaphore(%run_scoped3A : memref<!tpu.dma_semaphore, #tpu.memory_space<semaphore_mem>>) src(%arg5 : memref<2000xf32, #tpu.memory_space<vmem>>) dst(%dma_wait3A_35 : memref<10240xf32, #tpu.memory_space<vmem_shared>>)
        tpu.yield
      }) : () -> ()
      %scan3A_33 = arith.constant 0 : i32
      scf.yield %scan3A_33 : i32
    }
    %scan3A_24 = arith.constant 5 : i32
    %barrier3A_25 = arith.constant 0 : index
    tpu.barrier barrier_id(%barrier3A_25)
    %mul3A_26 = arith.constant 640 : i32
    %mul3A_27 = arith.muli %arg1, %mul3A_26 : i32
    "tpu.region"() ({
      %run_scoped3A = tpu.sem_alloc : memref<!tpu.dma_semaphore, #tpu.memory_space<semaphore_mem>>
      %dma_start3A = arith.constant 0 : i32
      %dma_start3A_28 = tpu.memref_slice %arg3[%arg0, %arg1, %dma_start3A] : memref<2x16x640xf32, #tpu.memory_space<hbm>> -> memref<1x1x640xf32, #tpu.memory_space<hbm>>
      %dma_start3A_29 = tpu.memref_squeeze %dma_start3A_28 : memref<1x1x640xf32, #tpu.memory_space<hbm>> -> memref<640xf32, #tpu.memory_space<hbm>>
      %dma_start3A_30 = tpu.memref_slice %arg7[%mul3A_27] : memref<10240xf32, #tpu.memory_space<vmem_shared>> -> memref<640xf32, #tpu.memory_space<vmem_shared>>
      tpu.enqueue_dma source(%dma_start3A_30 : memref<640xf32, #tpu.memory_space<vmem_shared>>) target(%dma_start3A_29 : memref<640xf32, #tpu.memory_space<hbm>>) target_semaphore(%run_scoped3A : memref<!tpu.dma_semaphore, #tpu.memory_space<semaphore_mem>>)
      %dma_wait3A = arith.constant 0 : i32
      %dma_wait3A_31 = tpu.memref_slice %arg3[%arg0, %arg1, %dma_wait3A] : memref<2x16x640xf32, #tpu.memory_space<hbm>> -> memref<1x1x640xf32, #tpu.memory_space<hbm>>
      %dma_wait3A_32 = tpu.memref_squeeze %dma_wait3A_31 : memref<1x1x640xf32, #tpu.memory_space<hbm>> -> memref<640xf32, #tpu.memory_space<hbm>>
      %dma_wait3A_33 = tpu.memref_slice %arg7[%mul3A_27] : memref<10240xf32, #tpu.memory_space<vmem_shared>> -> memref<640xf32, #tpu.memory_space<vmem_shared>>
      tpu.wait_dma2 semaphore(%run_scoped3A : memref<!tpu.dma_semaphore, #tpu.memory_space<semaphore_mem>>) src(%dma_wait3A_33 : memref<640xf32, #tpu.memory_space<vmem_shared>>) dst(%dma_wait3A_32 : memref<640xf32, #tpu.memory_space<hbm>>)
      tpu.yield
    }) : () -> ()
    return
  }
}

#map = affine_map<(d0, d1) -> (0, 0)>
#map1 = affine_map<(d0, d1) -> (0)>
module attributes {stable_mosaic.version = 14 : i64} {
  func.func @_agg_body(%arg0: i32, %arg1: i32, %arg2: memref<10240x128xf32, #tpu.memory_space<hbm>>, %arg3: memref<10240x128xf32, #tpu.memory_space<hbm>>, %arg4: memref<329728xi32, #tpu.memory_space<hbm>>, %arg5: memref<329728xi32, #tpu.memory_space<hbm>>, %arg6: memref<10240x128xf32, #tpu.memory_space<hbm>>, %arg7: memref<10240x128xf32, #tpu.memory_space<hbm>>, %arg8: memref<184xi32, #tpu.memory_space<vmem>>, %arg9: memref<184xi32, #tpu.memory_space<vmem>>, %arg10: memref<184xi32, #tpu.memory_space<vmem>>, %arg11: memref<184xi32, #tpu.memory_space<vmem>>, %arg12: memref<184x128xf32, #tpu.memory_space<vmem>>, %arg13: memref<184x128xf32, #tpu.memory_space<vmem>>, %arg14: memref<10240x128xf32, #tpu.memory_space<vmem_shared>>, %arg15: memref<!tpu.dma_semaphore, #tpu.memory_space<semaphore_mem>>, %arg16: memref<!tpu.dma_semaphore, #tpu.memory_space<semaphore_mem>>) attributes {dimension_semantics = [#tpu.dimension_semantics<core_parallel>, #tpu.dimension_semantics<subcore_parallel>], iteration_bounds = array<i64: 2, 16>, scalar_prefetch = 0 : i64, scratch_operands = 9 : i64, tpu.core_type = #tpu.core_type<sc_vector_subcore>, window_params = [{transform_indices = #map}, {transform_indices = #map}, {transform_indices = #map1}, {transform_indices = #map1}, {transform_indices = #map}, {transform_indices = #map}]} {
    %eq3A = arith.constant 0 : i32
    %eq3A_0 = arith.cmpi eq, %arg0, %eq3A : i32
    %convert_element_type3A = arith.extui %eq3A_0 : i1 to i32
    %cond3A = arith.constant 0 : i32
    %cond3A_1 = arith.cmpi ne, %convert_element_type3A, %cond3A : i32
    scf.if %cond3A_1 {
      %mul3A = arith.constant 640 : i32
      %mul3A_7 = arith.muli %arg1, %mul3A : i32
      %mul3A_8 = arith.constant 640 : i32
      %mul3A_9 = arith.muli %arg1, %mul3A_8 : i32
      "tpu.region"() ({
        %run_scoped3A = tpu.sem_alloc : memref<!tpu.dma_semaphore, #tpu.memory_space<semaphore_mem>>
        %dma_start3A_26 = arith.constant 0 : i32
        %dma_start3A_27 = tpu.memref_slice %arg14[%mul3A_9, %dma_start3A_26] : memref<10240x128xf32, #tpu.memory_space<vmem_shared>> -> memref<640x128xf32, #tpu.memory_space<vmem_shared>>
        %dma_start3A_28 = arith.constant 0 : i32
        %dma_start3A_29 = tpu.memref_slice %arg2[%mul3A_7, %dma_start3A_28] : memref<10240x128xf32, #tpu.memory_space<hbm>> -> memref<640x128xf32, #tpu.memory_space<hbm>>
        tpu.enqueue_dma source(%dma_start3A_29 : memref<640x128xf32, #tpu.memory_space<hbm>>) target(%dma_start3A_27 : memref<640x128xf32, #tpu.memory_space<vmem_shared>>) target_semaphore(%run_scoped3A : memref<!tpu.dma_semaphore, #tpu.memory_space<semaphore_mem>>)
        %dma_wait3A = arith.constant 0 : i32
        %dma_wait3A_30 = tpu.memref_slice %arg14[%mul3A_9, %dma_wait3A] : memref<10240x128xf32, #tpu.memory_space<vmem_shared>> -> memref<640x128xf32, #tpu.memory_space<vmem_shared>>
        %dma_wait3A_31 = arith.constant 0 : i32
        %dma_wait3A_32 = tpu.memref_slice %arg2[%mul3A_7, %dma_wait3A_31] : memref<10240x128xf32, #tpu.memory_space<hbm>> -> memref<640x128xf32, #tpu.memory_space<hbm>>
        tpu.wait_dma2 semaphore(%run_scoped3A : memref<!tpu.dma_semaphore, #tpu.memory_space<semaphore_mem>>) src(%dma_wait3A_32 : memref<640x128xf32, #tpu.memory_space<hbm>>) dst(%dma_wait3A_30 : memref<640x128xf32, #tpu.memory_space<vmem_shared>>)
        tpu.yield
      }) : () -> ()
      %barrier3A = arith.constant 0 : index
      tpu.barrier barrier_id(%barrier3A)
      %mul3A_10 = arith.constant 20608 : i32
      %mul3A_11 = arith.muli %arg1, %mul3A_10 : i32
      %add3A = arith.constant 0 : i32
      %add3A_12 = arith.addi %mul3A_11, %add3A : i32
      "tpu.region"() ({
        %run_scoped3A = tpu.sem_alloc : memref<!tpu.dma_semaphore, #tpu.memory_space<semaphore_mem>>
        %dma_start3A_26 = tpu.memref_slice %arg4[%add3A_12] : memref<329728xi32, #tpu.memory_space<hbm>> -> memref<184xi32, #tpu.memory_space<hbm>>
        %dma_start3A_27 = tpu.memref_slice %arg4[%add3A_12] : memref<329728xi32, #tpu.memory_space<hbm>> -> memref<184xi32, #tpu.memory_space<hbm>>
        tpu.enqueue_dma source(%dma_start3A_27 : memref<184xi32, #tpu.memory_space<hbm>>) target(%arg8 : memref<184xi32, #tpu.memory_space<vmem>>) target_semaphore(%run_scoped3A : memref<!tpu.dma_semaphore, #tpu.memory_space<semaphore_mem>>)
        %dma_wait3A = tpu.memref_slice %arg4[%add3A_12] : memref<329728xi32, #tpu.memory_space<hbm>> -> memref<184xi32, #tpu.memory_space<hbm>>
        %dma_wait3A_28 = tpu.memref_slice %arg4[%add3A_12] : memref<329728xi32, #tpu.memory_space<hbm>> -> memref<184xi32, #tpu.memory_space<hbm>>
        tpu.wait_dma2 semaphore(%run_scoped3A : memref<!tpu.dma_semaphore, #tpu.memory_space<semaphore_mem>>) src(%dma_wait3A_28 : memref<184xi32, #tpu.memory_space<hbm>>) dst(%arg8 : memref<184xi32, #tpu.memory_space<vmem>>)
        tpu.yield
      }) : () -> ()
      "tpu.region"() ({
        %run_scoped3A = tpu.sem_alloc : memref<!tpu.dma_semaphore, #tpu.memory_space<semaphore_mem>>
        %dma_start3A_26 = tpu.memref_slice %arg5[%add3A_12] : memref<329728xi32, #tpu.memory_space<hbm>> -> memref<184xi32, #tpu.memory_space<hbm>>
        %dma_start3A_27 = tpu.memref_slice %arg5[%add3A_12] : memref<329728xi32, #tpu.memory_space<hbm>> -> memref<184xi32, #tpu.memory_space<hbm>>
        tpu.enqueue_dma source(%dma_start3A_27 : memref<184xi32, #tpu.memory_space<hbm>>) target(%arg10 : memref<184xi32, #tpu.memory_space<vmem>>) target_semaphore(%run_scoped3A : memref<!tpu.dma_semaphore, #tpu.memory_space<semaphore_mem>>)
        %dma_wait3A = tpu.memref_slice %arg5[%add3A_12] : memref<329728xi32, #tpu.memory_space<hbm>> -> memref<184xi32, #tpu.memory_space<hbm>>
        %dma_wait3A_28 = tpu.memref_slice %arg5[%add3A_12] : memref<329728xi32, #tpu.memory_space<hbm>> -> memref<184xi32, #tpu.memory_space<hbm>>
        tpu.wait_dma2 semaphore(%run_scoped3A : memref<!tpu.dma_semaphore, #tpu.memory_space<semaphore_mem>>) src(%dma_wait3A_28 : memref<184xi32, #tpu.memory_space<hbm>>) dst(%arg10 : memref<184xi32, #tpu.memory_space<vmem>>)
        tpu.yield
      }) : () -> ()
      %dma_start3A = arith.constant 0 : i32
      %dma_start3A_13 = arith.constant 0 : i32
      %dma_start3A_14 = tpu.memref_slice %arg2[%dma_start3A, %dma_start3A_13] : memref<10240x128xf32, #tpu.memory_space<hbm>> -> memref<10240x128xf32, #tpu.memory_space<hbm>>
      tpu.enqueue_indirect_dma source(%dma_start3A_14 : memref<10240x128xf32, #tpu.memory_space<hbm>>) target(%arg12 : memref<184x128xf32, #tpu.memory_space<vmem>>) offsets(%arg8 : memref<184xi32, #tpu.memory_space<vmem>>) semaphore(%arg15 : memref<!tpu.dma_semaphore, #tpu.memory_space<semaphore_mem>>)
      %scan3A = arith.constant 0 : i32
      %scan3A_15 = arith.constant 0 : i32
      %scan3A_16 = arith.constant 56 : i32
      %scan3A_17 = arith.addi %scan3A_15, %scan3A_16 : i32
      %scan3A_18 = arith.constant 1 : i32
      %scan3A_19 = scf.for %scan3A_26 = %scan3A_15 to %scan3A_17 step %scan3A_18 iter_args(%scan3A_27 = %scan3A) -> (i32)  : i32 {
        %mul3A_28 = arith.constant 2 : i32
        %mul3A_29 = arith.muli %scan3A_26, %mul3A_28 : i32
        %add3A_30 = arith.constant 0 : i32
        %add3A_31 = arith.addi %mul3A_29, %add3A_30 : i32
        %add3A_32 = arith.constant 2 : i32
        %add3A_33 = arith.addi %add3A_31, %add3A_32 : i32
        %sub3A = arith.constant 1 : i32
        %sub3A_34 = arith.subi %add3A_33, %sub3A : i32
        %lt3A = arith.constant 112 : i32
        %lt3A_35 = arith.cmpi slt, %sub3A_34, %lt3A : i32
        %convert_element_type3A_36 = arith.extui %lt3A_35 : i1 to i32
        %cond3A_37 = arith.constant 0 : i32
        %cond3A_38 = arith.cmpi ne, %convert_element_type3A_36, %cond3A_37 : i32
        scf.if %cond3A_38 {
          %add3A_58 = arith.constant 2 : i32
          %add3A_59 = arith.addi %add3A_31, %add3A_58 : i32
          %sub3A_60 = arith.constant 1 : i32
          %sub3A_61 = arith.subi %add3A_59, %sub3A_60 : i32
          %mul3A_62 = arith.constant 184 : i32
          %mul3A_63 = arith.muli %sub3A_61, %mul3A_62 : i32
          %add3A_64 = arith.addi %mul3A_11, %mul3A_63 : i32
          "tpu.region"() ({
            %run_scoped3A = tpu.sem_alloc : memref<!tpu.dma_semaphore, #tpu.memory_space<semaphore_mem>>
            %dma_start3A_68 = tpu.memref_slice %arg4[%add3A_64] : memref<329728xi32, #tpu.memory_space<hbm>> -> memref<184xi32, #tpu.memory_space<hbm>>
            %dma_start3A_69 = tpu.memref_slice %arg4[%add3A_64] : memref<329728xi32, #tpu.memory_space<hbm>> -> memref<184xi32, #tpu.memory_space<hbm>>
            tpu.enqueue_dma source(%dma_start3A_69 : memref<184xi32, #tpu.memory_space<hbm>>) target(%arg9 : memref<184xi32, #tpu.memory_space<vmem>>) target_semaphore(%run_scoped3A : memref<!tpu.dma_semaphore, #tpu.memory_space<semaphore_mem>>)
            %dma_wait3A_70 = tpu.memref_slice %arg4[%add3A_64] : memref<329728xi32, #tpu.memory_space<hbm>> -> memref<184xi32, #tpu.memory_space<hbm>>
            %dma_wait3A_71 = tpu.memref_slice %arg4[%add3A_64] : memref<329728xi32, #tpu.memory_space<hbm>> -> memref<184xi32, #tpu.memory_space<hbm>>
            tpu.wait_dma2 semaphore(%run_scoped3A : memref<!tpu.dma_semaphore, #tpu.memory_space<semaphore_mem>>) src(%dma_wait3A_71 : memref<184xi32, #tpu.memory_space<hbm>>) dst(%arg9 : memref<184xi32, #tpu.memory_space<vmem>>)
            tpu.yield
          }) : () -> ()
          "tpu.region"() ({
            %run_scoped3A = tpu.sem_alloc : memref<!tpu.dma_semaphore, #tpu.memory_space<semaphore_mem>>
            %dma_start3A_68 = tpu.memref_slice %arg5[%add3A_64] : memref<329728xi32, #tpu.memory_space<hbm>> -> memref<184xi32, #tpu.memory_space<hbm>>
            %dma_start3A_69 = tpu.memref_slice %arg5[%add3A_64] : memref<329728xi32, #tpu.memory_space<hbm>> -> memref<184xi32, #tpu.memory_space<hbm>>
            tpu.enqueue_dma source(%dma_start3A_69 : memref<184xi32, #tpu.memory_space<hbm>>) target(%arg11 : memref<184xi32, #tpu.memory_space<vmem>>) target_semaphore(%run_scoped3A : memref<!tpu.dma_semaphore, #tpu.memory_space<semaphore_mem>>)
            %dma_wait3A_70 = tpu.memref_slice %arg5[%add3A_64] : memref<329728xi32, #tpu.memory_space<hbm>> -> memref<184xi32, #tpu.memory_space<hbm>>
            %dma_wait3A_71 = tpu.memref_slice %arg5[%add3A_64] : memref<329728xi32, #tpu.memory_space<hbm>> -> memref<184xi32, #tpu.memory_space<hbm>>
            tpu.wait_dma2 semaphore(%run_scoped3A : memref<!tpu.dma_semaphore, #tpu.memory_space<semaphore_mem>>) src(%dma_wait3A_71 : memref<184xi32, #tpu.memory_space<hbm>>) dst(%arg11 : memref<184xi32, #tpu.memory_space<vmem>>)
            tpu.yield
          }) : () -> ()
          %dma_start3A_65 = arith.constant 0 : i32
          %dma_start3A_66 = arith.constant 0 : i32
          %dma_start3A_67 = tpu.memref_slice %arg2[%dma_start3A_65, %dma_start3A_66] : memref<10240x128xf32, #tpu.memory_space<hbm>> -> memref<10240x128xf32, #tpu.memory_space<hbm>>
          tpu.enqueue_indirect_dma source(%dma_start3A_67 : memref<10240x128xf32, #tpu.memory_space<hbm>>) target(%arg13 : memref<184x128xf32, #tpu.memory_space<vmem>>) offsets(%arg9 : memref<184xi32, #tpu.memory_space<vmem>>) semaphore(%arg16 : memref<!tpu.dma_semaphore, #tpu.memory_space<semaphore_mem>>)
        } else {
        }
        %dma_wait3A = arith.constant 0 : i32
        %dma_wait3A_39 = arith.constant 0 : i32
        %dma_wait3A_40 = tpu.memref_slice %arg2[%dma_wait3A, %dma_wait3A_39] : memref<10240x128xf32, #tpu.memory_space<hbm>> -> memref<10240x128xf32, #tpu.memory_space<hbm>>
        tpu.wait_indirect_dma semaphore(%arg15 : memref<!tpu.dma_semaphore, #tpu.memory_space<semaphore_mem>>) src(%dma_wait3A_40 : memref<10240x128xf32, #tpu.memory_space<hbm>>) dst(%arg12 : memref<184x128xf32, #tpu.memory_space<vmem>>)
        "tpu.region"() ({
          %run_scoped3A = tpu.sem_alloc : memref<!tpu.dma_semaphore, #tpu.memory_space<semaphore_mem>>
          %dma_start3A_58 = arith.constant 0 : i32
          %dma_start3A_59 = arith.constant 0 : i32
          %dma_start3A_60 = tpu.memref_slice %arg14[%dma_start3A_58, %dma_start3A_59] : memref<10240x128xf32, #tpu.memory_space<vmem_shared>> -> memref<10240x128xf32, #tpu.memory_space<vmem_shared>>
          tpu.enqueue_indirect_dma source(%arg12 : memref<184x128xf32, #tpu.memory_space<vmem>>) target(%dma_start3A_60 : memref<10240x128xf32, #tpu.memory_space<vmem_shared>>) offsets(%arg10 : memref<184xi32, #tpu.memory_space<vmem>>) semaphore(%run_scoped3A : memref<!tpu.dma_semaphore, #tpu.memory_space<semaphore_mem>>) {add = true}
          %dma_wait3A_61 = arith.constant 0 : i32
          %dma_wait3A_62 = arith.constant 0 : i32
          %dma_wait3A_63 = tpu.memref_slice %arg14[%dma_wait3A_61, %dma_wait3A_62] : memref<10240x128xf32, #tpu.memory_space<vmem_shared>> -> memref<10240x128xf32, #tpu.memory_space<vmem_shared>>
          tpu.wait_indirect_dma semaphore(%run_scoped3A : memref<!tpu.dma_semaphore, #tpu.memory_space<semaphore_mem>>) src(%arg12 : memref<184x128xf32, #tpu.memory_space<vmem>>) dst(%dma_wait3A_63 : memref<10240x128xf32, #tpu.memory_space<vmem_shared>>)
          tpu.yield
        }) : () -> ()
        %mul3A_41 = arith.constant 2 : i32
        %mul3A_42 = arith.muli %scan3A_26, %mul3A_41 : i32
        %add3A_43 = arith.constant 1 : i32
        %add3A_44 = arith.addi %mul3A_42, %add3A_43 : i32
        %add3A_45 = arith.constant 2 : i32
        %add3A_46 = arith.addi %add3A_44, %add3A_45 : i32
        %sub3A_47 = arith.constant 1 : i32
        %sub3A_48 = arith.subi %add3A_46, %sub3A_47 : i32
        %lt3A_49 = arith.constant 112 : i32
        %lt3A_50 = arith.cmpi slt, %sub3A_48, %lt3A_49 : i32
        %convert_element_type3A_51 = arith.extui %lt3A_50 : i1 to i32
        %cond3A_52 = arith.constant 0 : i32
        %cond3A_53 = arith.cmpi ne, %convert_element_type3A_51, %cond3A_52 : i32
        scf.if %cond3A_53 {
          %add3A_58 = arith.constant 2 : i32
          %add3A_59 = arith.addi %add3A_44, %add3A_58 : i32
          %sub3A_60 = arith.constant 1 : i32
          %sub3A_61 = arith.subi %add3A_59, %sub3A_60 : i32
          %mul3A_62 = arith.constant 184 : i32
          %mul3A_63 = arith.muli %sub3A_61, %mul3A_62 : i32
          %add3A_64 = arith.addi %mul3A_11, %mul3A_63 : i32
          "tpu.region"() ({
            %run_scoped3A = tpu.sem_alloc : memref<!tpu.dma_semaphore, #tpu.memory_space<semaphore_mem>>
            %dma_start3A_68 = tpu.memref_slice %arg4[%add3A_64] : memref<329728xi32, #tpu.memory_space<hbm>> -> memref<184xi32, #tpu.memory_space<hbm>>
            %dma_start3A_69 = tpu.memref_slice %arg4[%add3A_64] : memref<329728xi32, #tpu.memory_space<hbm>> -> memref<184xi32, #tpu.memory_space<hbm>>
            tpu.enqueue_dma source(%dma_start3A_69 : memref<184xi32, #tpu.memory_space<hbm>>) target(%arg8 : memref<184xi32, #tpu.memory_space<vmem>>) target_semaphore(%run_scoped3A : memref<!tpu.dma_semaphore, #tpu.memory_space<semaphore_mem>>)
            %dma_wait3A_70 = tpu.memref_slice %arg4[%add3A_64] : memref<329728xi32, #tpu.memory_space<hbm>> -> memref<184xi32, #tpu.memory_space<hbm>>
            %dma_wait3A_71 = tpu.memref_slice %arg4[%add3A_64] : memref<329728xi32, #tpu.memory_space<hbm>> -> memref<184xi32, #tpu.memory_space<hbm>>
            tpu.wait_dma2 semaphore(%run_scoped3A : memref<!tpu.dma_semaphore, #tpu.memory_space<semaphore_mem>>) src(%dma_wait3A_71 : memref<184xi32, #tpu.memory_space<hbm>>) dst(%arg8 : memref<184xi32, #tpu.memory_space<vmem>>)
            tpu.yield
          }) : () -> ()
          "tpu.region"() ({
            %run_scoped3A = tpu.sem_alloc : memref<!tpu.dma_semaphore, #tpu.memory_space<semaphore_mem>>
            %dma_start3A_68 = tpu.memref_slice %arg5[%add3A_64] : memref<329728xi32, #tpu.memory_space<hbm>> -> memref<184xi32, #tpu.memory_space<hbm>>
            %dma_start3A_69 = tpu.memref_slice %arg5[%add3A_64] : memref<329728xi32, #tpu.memory_space<hbm>> -> memref<184xi32, #tpu.memory_space<hbm>>
            tpu.enqueue_dma source(%dma_start3A_69 : memref<184xi32, #tpu.memory_space<hbm>>) target(%arg10 : memref<184xi32, #tpu.memory_space<vmem>>) target_semaphore(%run_scoped3A : memref<!tpu.dma_semaphore, #tpu.memory_space<semaphore_mem>>)
            %dma_wait3A_70 = tpu.memref_slice %arg5[%add3A_64] : memref<329728xi32, #tpu.memory_space<hbm>> -> memref<184xi32, #tpu.memory_space<hbm>>
            %dma_wait3A_71 = tpu.memref_slice %arg5[%add3A_64] : memref<329728xi32, #tpu.memory_space<hbm>> -> memref<184xi32, #tpu.memory_space<hbm>>
            tpu.wait_dma2 semaphore(%run_scoped3A : memref<!tpu.dma_semaphore, #tpu.memory_space<semaphore_mem>>) src(%dma_wait3A_71 : memref<184xi32, #tpu.memory_space<hbm>>) dst(%arg10 : memref<184xi32, #tpu.memory_space<vmem>>)
            tpu.yield
          }) : () -> ()
          %dma_start3A_65 = arith.constant 0 : i32
          %dma_start3A_66 = arith.constant 0 : i32
          %dma_start3A_67 = tpu.memref_slice %arg2[%dma_start3A_65, %dma_start3A_66] : memref<10240x128xf32, #tpu.memory_space<hbm>> -> memref<10240x128xf32, #tpu.memory_space<hbm>>
          tpu.enqueue_indirect_dma source(%dma_start3A_67 : memref<10240x128xf32, #tpu.memory_space<hbm>>) target(%arg12 : memref<184x128xf32, #tpu.memory_space<vmem>>) offsets(%arg8 : memref<184xi32, #tpu.memory_space<vmem>>) semaphore(%arg15 : memref<!tpu.dma_semaphore, #tpu.memory_space<semaphore_mem>>)
        } else {
        }
        %dma_wait3A_54 = arith.constant 0 : i32
        %dma_wait3A_55 = arith.constant 0 : i32
        %dma_wait3A_56 = tpu.memref_slice %arg2[%dma_wait3A_54, %dma_wait3A_55] : memref<10240x128xf32, #tpu.memory_space<hbm>> -> memref<10240x128xf32, #tpu.memory_space<hbm>>
        tpu.wait_indirect_dma semaphore(%arg16 : memref<!tpu.dma_semaphore, #tpu.memory_space<semaphore_mem>>) src(%dma_wait3A_56 : memref<10240x128xf32, #tpu.memory_space<hbm>>) dst(%arg13 : memref<184x128xf32, #tpu.memory_space<vmem>>)
        "tpu.region"() ({
          %run_scoped3A = tpu.sem_alloc : memref<!tpu.dma_semaphore, #tpu.memory_space<semaphore_mem>>
          %dma_start3A_58 = arith.constant 0 : i32
          %dma_start3A_59 = arith.constant 0 : i32
          %dma_start3A_60 = tpu.memref_slice %arg14[%dma_start3A_58, %dma_start3A_59] : memref<10240x128xf32, #tpu.memory_space<vmem_shared>> -> memref<10240x128xf32, #tpu.memory_space<vmem_shared>>
          tpu.enqueue_indirect_dma source(%arg13 : memref<184x128xf32, #tpu.memory_space<vmem>>) target(%dma_start3A_60 : memref<10240x128xf32, #tpu.memory_space<vmem_shared>>) offsets(%arg11 : memref<184xi32, #tpu.memory_space<vmem>>) semaphore(%run_scoped3A : memref<!tpu.dma_semaphore, #tpu.memory_space<semaphore_mem>>) {add = true}
          %dma_wait3A_61 = arith.constant 0 : i32
          %dma_wait3A_62 = arith.constant 0 : i32
          %dma_wait3A_63 = tpu.memref_slice %arg14[%dma_wait3A_61, %dma_wait3A_62] : memref<10240x128xf32, #tpu.memory_space<vmem_shared>> -> memref<10240x128xf32, #tpu.memory_space<vmem_shared>>
          tpu.wait_indirect_dma semaphore(%run_scoped3A : memref<!tpu.dma_semaphore, #tpu.memory_space<semaphore_mem>>) src(%arg13 : memref<184x128xf32, #tpu.memory_space<vmem>>) dst(%dma_wait3A_63 : memref<10240x128xf32, #tpu.memory_space<vmem_shared>>)
          tpu.yield
        }) : () -> ()
        %scan3A_57 = arith.constant 0 : i32
        scf.yield %scan3A_57 : i32
      }
      %scan3A_20 = arith.constant 56 : i32
      %barrier3A_21 = arith.constant 0 : index
      tpu.barrier barrier_id(%barrier3A_21)
      %mul3A_22 = arith.constant 640 : i32
      %mul3A_23 = arith.muli %arg1, %mul3A_22 : i32
      %mul3A_24 = arith.constant 640 : i32
      %mul3A_25 = arith.muli %arg1, %mul3A_24 : i32
      "tpu.region"() ({
        %run_scoped3A = tpu.sem_alloc : memref<!tpu.dma_semaphore, #tpu.memory_space<semaphore_mem>>
        %dma_start3A_26 = arith.constant 0 : i32
        %dma_start3A_27 = tpu.memref_slice %arg6[%mul3A_25, %dma_start3A_26] : memref<10240x128xf32, #tpu.memory_space<hbm>> -> memref<640x128xf32, #tpu.memory_space<hbm>>
        %dma_start3A_28 = arith.constant 0 : i32
        %dma_start3A_29 = tpu.memref_slice %arg14[%mul3A_23, %dma_start3A_28] : memref<10240x128xf32, #tpu.memory_space<vmem_shared>> -> memref<640x128xf32, #tpu.memory_space<vmem_shared>>
        tpu.enqueue_dma source(%dma_start3A_29 : memref<640x128xf32, #tpu.memory_space<vmem_shared>>) target(%dma_start3A_27 : memref<640x128xf32, #tpu.memory_space<hbm>>) target_semaphore(%run_scoped3A : memref<!tpu.dma_semaphore, #tpu.memory_space<semaphore_mem>>)
        %dma_wait3A = arith.constant 0 : i32
        %dma_wait3A_30 = tpu.memref_slice %arg6[%mul3A_25, %dma_wait3A] : memref<10240x128xf32, #tpu.memory_space<hbm>> -> memref<640x128xf32, #tpu.memory_space<hbm>>
        %dma_wait3A_31 = arith.constant 0 : i32
        %dma_wait3A_32 = tpu.memref_slice %arg14[%mul3A_23, %dma_wait3A_31] : memref<10240x128xf32, #tpu.memory_space<vmem_shared>> -> memref<640x128xf32, #tpu.memory_space<vmem_shared>>
        tpu.wait_dma2 semaphore(%run_scoped3A : memref<!tpu.dma_semaphore, #tpu.memory_space<semaphore_mem>>) src(%dma_wait3A_32 : memref<640x128xf32, #tpu.memory_space<vmem_shared>>) dst(%dma_wait3A_30 : memref<640x128xf32, #tpu.memory_space<hbm>>)
        tpu.yield
      }) : () -> ()
    } else {
    }
    %eq3A_2 = arith.constant 1 : i32
    %eq3A_3 = arith.cmpi eq, %arg0, %eq3A_2 : i32
    %convert_element_type3A_4 = arith.extui %eq3A_3 : i1 to i32
    %cond3A_5 = arith.constant 0 : i32
    %cond3A_6 = arith.cmpi ne, %convert_element_type3A_4, %cond3A_5 : i32
    scf.if %cond3A_6 {
      %mul3A = arith.constant 640 : i32
      %mul3A_7 = arith.muli %arg1, %mul3A : i32
      %mul3A_8 = arith.constant 640 : i32
      %mul3A_9 = arith.muli %arg1, %mul3A_8 : i32
      "tpu.region"() ({
        %run_scoped3A = tpu.sem_alloc : memref<!tpu.dma_semaphore, #tpu.memory_space<semaphore_mem>>
        %dma_start3A_26 = arith.constant 0 : i32
        %dma_start3A_27 = tpu.memref_slice %arg14[%mul3A_9, %dma_start3A_26] : memref<10240x128xf32, #tpu.memory_space<vmem_shared>> -> memref<640x128xf32, #tpu.memory_space<vmem_shared>>
        %dma_start3A_28 = arith.constant 0 : i32
        %dma_start3A_29 = tpu.memref_slice %arg3[%mul3A_7, %dma_start3A_28] : memref<10240x128xf32, #tpu.memory_space<hbm>> -> memref<640x128xf32, #tpu.memory_space<hbm>>
        tpu.enqueue_dma source(%dma_start3A_29 : memref<640x128xf32, #tpu.memory_space<hbm>>) target(%dma_start3A_27 : memref<640x128xf32, #tpu.memory_space<vmem_shared>>) target_semaphore(%run_scoped3A : memref<!tpu.dma_semaphore, #tpu.memory_space<semaphore_mem>>)
        %dma_wait3A = arith.constant 0 : i32
        %dma_wait3A_30 = tpu.memref_slice %arg14[%mul3A_9, %dma_wait3A] : memref<10240x128xf32, #tpu.memory_space<vmem_shared>> -> memref<640x128xf32, #tpu.memory_space<vmem_shared>>
        %dma_wait3A_31 = arith.constant 0 : i32
        %dma_wait3A_32 = tpu.memref_slice %arg3[%mul3A_7, %dma_wait3A_31] : memref<10240x128xf32, #tpu.memory_space<hbm>> -> memref<640x128xf32, #tpu.memory_space<hbm>>
        tpu.wait_dma2 semaphore(%run_scoped3A : memref<!tpu.dma_semaphore, #tpu.memory_space<semaphore_mem>>) src(%dma_wait3A_32 : memref<640x128xf32, #tpu.memory_space<hbm>>) dst(%dma_wait3A_30 : memref<640x128xf32, #tpu.memory_space<vmem_shared>>)
        tpu.yield
      }) : () -> ()
      %barrier3A = arith.constant 0 : index
      tpu.barrier barrier_id(%barrier3A)
      %mul3A_10 = arith.constant 20608 : i32
      %mul3A_11 = arith.muli %arg1, %mul3A_10 : i32
      %add3A = arith.constant 0 : i32
      %add3A_12 = arith.addi %mul3A_11, %add3A : i32
      "tpu.region"() ({
        %run_scoped3A = tpu.sem_alloc : memref<!tpu.dma_semaphore, #tpu.memory_space<semaphore_mem>>
        %dma_start3A_26 = tpu.memref_slice %arg4[%add3A_12] : memref<329728xi32, #tpu.memory_space<hbm>> -> memref<184xi32, #tpu.memory_space<hbm>>
        %dma_start3A_27 = tpu.memref_slice %arg4[%add3A_12] : memref<329728xi32, #tpu.memory_space<hbm>> -> memref<184xi32, #tpu.memory_space<hbm>>
        tpu.enqueue_dma source(%dma_start3A_27 : memref<184xi32, #tpu.memory_space<hbm>>) target(%arg8 : memref<184xi32, #tpu.memory_space<vmem>>) target_semaphore(%run_scoped3A : memref<!tpu.dma_semaphore, #tpu.memory_space<semaphore_mem>>)
        %dma_wait3A = tpu.memref_slice %arg4[%add3A_12] : memref<329728xi32, #tpu.memory_space<hbm>> -> memref<184xi32, #tpu.memory_space<hbm>>
        %dma_wait3A_28 = tpu.memref_slice %arg4[%add3A_12] : memref<329728xi32, #tpu.memory_space<hbm>> -> memref<184xi32, #tpu.memory_space<hbm>>
        tpu.wait_dma2 semaphore(%run_scoped3A : memref<!tpu.dma_semaphore, #tpu.memory_space<semaphore_mem>>) src(%dma_wait3A_28 : memref<184xi32, #tpu.memory_space<hbm>>) dst(%arg8 : memref<184xi32, #tpu.memory_space<vmem>>)
        tpu.yield
      }) : () -> ()
      "tpu.region"() ({
        %run_scoped3A = tpu.sem_alloc : memref<!tpu.dma_semaphore, #tpu.memory_space<semaphore_mem>>
        %dma_start3A_26 = tpu.memref_slice %arg5[%add3A_12] : memref<329728xi32, #tpu.memory_space<hbm>> -> memref<184xi32, #tpu.memory_space<hbm>>
        %dma_start3A_27 = tpu.memref_slice %arg5[%add3A_12] : memref<329728xi32, #tpu.memory_space<hbm>> -> memref<184xi32, #tpu.memory_space<hbm>>
        tpu.enqueue_dma source(%dma_start3A_27 : memref<184xi32, #tpu.memory_space<hbm>>) target(%arg10 : memref<184xi32, #tpu.memory_space<vmem>>) target_semaphore(%run_scoped3A : memref<!tpu.dma_semaphore, #tpu.memory_space<semaphore_mem>>)
        %dma_wait3A = tpu.memref_slice %arg5[%add3A_12] : memref<329728xi32, #tpu.memory_space<hbm>> -> memref<184xi32, #tpu.memory_space<hbm>>
        %dma_wait3A_28 = tpu.memref_slice %arg5[%add3A_12] : memref<329728xi32, #tpu.memory_space<hbm>> -> memref<184xi32, #tpu.memory_space<hbm>>
        tpu.wait_dma2 semaphore(%run_scoped3A : memref<!tpu.dma_semaphore, #tpu.memory_space<semaphore_mem>>) src(%dma_wait3A_28 : memref<184xi32, #tpu.memory_space<hbm>>) dst(%arg10 : memref<184xi32, #tpu.memory_space<vmem>>)
        tpu.yield
      }) : () -> ()
      %dma_start3A = arith.constant 0 : i32
      %dma_start3A_13 = arith.constant 0 : i32
      %dma_start3A_14 = tpu.memref_slice %arg3[%dma_start3A, %dma_start3A_13] : memref<10240x128xf32, #tpu.memory_space<hbm>> -> memref<10240x128xf32, #tpu.memory_space<hbm>>
      tpu.enqueue_indirect_dma source(%dma_start3A_14 : memref<10240x128xf32, #tpu.memory_space<hbm>>) target(%arg12 : memref<184x128xf32, #tpu.memory_space<vmem>>) offsets(%arg8 : memref<184xi32, #tpu.memory_space<vmem>>) semaphore(%arg15 : memref<!tpu.dma_semaphore, #tpu.memory_space<semaphore_mem>>)
      %scan3A = arith.constant 0 : i32
      %scan3A_15 = arith.constant 0 : i32
      %scan3A_16 = arith.constant 56 : i32
      %scan3A_17 = arith.addi %scan3A_15, %scan3A_16 : i32
      %scan3A_18 = arith.constant 1 : i32
      %scan3A_19 = scf.for %scan3A_26 = %scan3A_15 to %scan3A_17 step %scan3A_18 iter_args(%scan3A_27 = %scan3A) -> (i32)  : i32 {
        %mul3A_28 = arith.constant 2 : i32
        %mul3A_29 = arith.muli %scan3A_26, %mul3A_28 : i32
        %add3A_30 = arith.constant 0 : i32
        %add3A_31 = arith.addi %mul3A_29, %add3A_30 : i32
        %add3A_32 = arith.constant 2 : i32
        %add3A_33 = arith.addi %add3A_31, %add3A_32 : i32
        %sub3A = arith.constant 1 : i32
        %sub3A_34 = arith.subi %add3A_33, %sub3A : i32
        %lt3A = arith.constant 112 : i32
        %lt3A_35 = arith.cmpi slt, %sub3A_34, %lt3A : i32
        %convert_element_type3A_36 = arith.extui %lt3A_35 : i1 to i32
        %cond3A_37 = arith.constant 0 : i32
        %cond3A_38 = arith.cmpi ne, %convert_element_type3A_36, %cond3A_37 : i32
        scf.if %cond3A_38 {
          %add3A_58 = arith.constant 2 : i32
          %add3A_59 = arith.addi %add3A_31, %add3A_58 : i32
          %sub3A_60 = arith.constant 1 : i32
          %sub3A_61 = arith.subi %add3A_59, %sub3A_60 : i32
          %mul3A_62 = arith.constant 184 : i32
          %mul3A_63 = arith.muli %sub3A_61, %mul3A_62 : i32
          %add3A_64 = arith.addi %mul3A_11, %mul3A_63 : i32
          "tpu.region"() ({
            %run_scoped3A = tpu.sem_alloc : memref<!tpu.dma_semaphore, #tpu.memory_space<semaphore_mem>>
            %dma_start3A_68 = tpu.memref_slice %arg4[%add3A_64] : memref<329728xi32, #tpu.memory_space<hbm>> -> memref<184xi32, #tpu.memory_space<hbm>>
            %dma_start3A_69 = tpu.memref_slice %arg4[%add3A_64] : memref<329728xi32, #tpu.memory_space<hbm>> -> memref<184xi32, #tpu.memory_space<hbm>>
            tpu.enqueue_dma source(%dma_start3A_69 : memref<184xi32, #tpu.memory_space<hbm>>) target(%arg9 : memref<184xi32, #tpu.memory_space<vmem>>) target_semaphore(%run_scoped3A : memref<!tpu.dma_semaphore, #tpu.memory_space<semaphore_mem>>)
            %dma_wait3A_70 = tpu.memref_slice %arg4[%add3A_64] : memref<329728xi32, #tpu.memory_space<hbm>> -> memref<184xi32, #tpu.memory_space<hbm>>
            %dma_wait3A_71 = tpu.memref_slice %arg4[%add3A_64] : memref<329728xi32, #tpu.memory_space<hbm>> -> memref<184xi32, #tpu.memory_space<hbm>>
            tpu.wait_dma2 semaphore(%run_scoped3A : memref<!tpu.dma_semaphore, #tpu.memory_space<semaphore_mem>>) src(%dma_wait3A_71 : memref<184xi32, #tpu.memory_space<hbm>>) dst(%arg9 : memref<184xi32, #tpu.memory_space<vmem>>)
            tpu.yield
          }) : () -> ()
          "tpu.region"() ({
            %run_scoped3A = tpu.sem_alloc : memref<!tpu.dma_semaphore, #tpu.memory_space<semaphore_mem>>
            %dma_start3A_68 = tpu.memref_slice %arg5[%add3A_64] : memref<329728xi32, #tpu.memory_space<hbm>> -> memref<184xi32, #tpu.memory_space<hbm>>
            %dma_start3A_69 = tpu.memref_slice %arg5[%add3A_64] : memref<329728xi32, #tpu.memory_space<hbm>> -> memref<184xi32, #tpu.memory_space<hbm>>
            tpu.enqueue_dma source(%dma_start3A_69 : memref<184xi32, #tpu.memory_space<hbm>>) target(%arg11 : memref<184xi32, #tpu.memory_space<vmem>>) target_semaphore(%run_scoped3A : memref<!tpu.dma_semaphore, #tpu.memory_space<semaphore_mem>>)
            %dma_wait3A_70 = tpu.memref_slice %arg5[%add3A_64] : memref<329728xi32, #tpu.memory_space<hbm>> -> memref<184xi32, #tpu.memory_space<hbm>>
            %dma_wait3A_71 = tpu.memref_slice %arg5[%add3A_64] : memref<329728xi32, #tpu.memory_space<hbm>> -> memref<184xi32, #tpu.memory_space<hbm>>
            tpu.wait_dma2 semaphore(%run_scoped3A : memref<!tpu.dma_semaphore, #tpu.memory_space<semaphore_mem>>) src(%dma_wait3A_71 : memref<184xi32, #tpu.memory_space<hbm>>) dst(%arg11 : memref<184xi32, #tpu.memory_space<vmem>>)
            tpu.yield
          }) : () -> ()
          %dma_start3A_65 = arith.constant 0 : i32
          %dma_start3A_66 = arith.constant 0 : i32
          %dma_start3A_67 = tpu.memref_slice %arg3[%dma_start3A_65, %dma_start3A_66] : memref<10240x128xf32, #tpu.memory_space<hbm>> -> memref<10240x128xf32, #tpu.memory_space<hbm>>
          tpu.enqueue_indirect_dma source(%dma_start3A_67 : memref<10240x128xf32, #tpu.memory_space<hbm>>) target(%arg13 : memref<184x128xf32, #tpu.memory_space<vmem>>) offsets(%arg9 : memref<184xi32, #tpu.memory_space<vmem>>) semaphore(%arg16 : memref<!tpu.dma_semaphore, #tpu.memory_space<semaphore_mem>>)
        } else {
        }
        %dma_wait3A = arith.constant 0 : i32
        %dma_wait3A_39 = arith.constant 0 : i32
        %dma_wait3A_40 = tpu.memref_slice %arg3[%dma_wait3A, %dma_wait3A_39] : memref<10240x128xf32, #tpu.memory_space<hbm>> -> memref<10240x128xf32, #tpu.memory_space<hbm>>
        tpu.wait_indirect_dma semaphore(%arg15 : memref<!tpu.dma_semaphore, #tpu.memory_space<semaphore_mem>>) src(%dma_wait3A_40 : memref<10240x128xf32, #tpu.memory_space<hbm>>) dst(%arg12 : memref<184x128xf32, #tpu.memory_space<vmem>>)
        "tpu.region"() ({
          %run_scoped3A = tpu.sem_alloc : memref<!tpu.dma_semaphore, #tpu.memory_space<semaphore_mem>>
          %dma_start3A_58 = arith.constant 0 : i32
          %dma_start3A_59 = arith.constant 0 : i32
          %dma_start3A_60 = tpu.memref_slice %arg14[%dma_start3A_58, %dma_start3A_59] : memref<10240x128xf32, #tpu.memory_space<vmem_shared>> -> memref<10240x128xf32, #tpu.memory_space<vmem_shared>>
          tpu.enqueue_indirect_dma source(%arg12 : memref<184x128xf32, #tpu.memory_space<vmem>>) target(%dma_start3A_60 : memref<10240x128xf32, #tpu.memory_space<vmem_shared>>) offsets(%arg10 : memref<184xi32, #tpu.memory_space<vmem>>) semaphore(%run_scoped3A : memref<!tpu.dma_semaphore, #tpu.memory_space<semaphore_mem>>) {add = true}
          %dma_wait3A_61 = arith.constant 0 : i32
          %dma_wait3A_62 = arith.constant 0 : i32
          %dma_wait3A_63 = tpu.memref_slice %arg14[%dma_wait3A_61, %dma_wait3A_62] : memref<10240x128xf32, #tpu.memory_space<vmem_shared>> -> memref<10240x128xf32, #tpu.memory_space<vmem_shared>>
          tpu.wait_indirect_dma semaphore(%run_scoped3A : memref<!tpu.dma_semaphore, #tpu.memory_space<semaphore_mem>>) src(%arg12 : memref<184x128xf32, #tpu.memory_space<vmem>>) dst(%dma_wait3A_63 : memref<10240x128xf32, #tpu.memory_space<vmem_shared>>)
          tpu.yield
        }) : () -> ()
        %mul3A_41 = arith.constant 2 : i32
        %mul3A_42 = arith.muli %scan3A_26, %mul3A_41 : i32
        %add3A_43 = arith.constant 1 : i32
        %add3A_44 = arith.addi %mul3A_42, %add3A_43 : i32
        %add3A_45 = arith.constant 2 : i32
        %add3A_46 = arith.addi %add3A_44, %add3A_45 : i32
        %sub3A_47 = arith.constant 1 : i32
        %sub3A_48 = arith.subi %add3A_46, %sub3A_47 : i32
        %lt3A_49 = arith.constant 112 : i32
        %lt3A_50 = arith.cmpi slt, %sub3A_48, %lt3A_49 : i32
        %convert_element_type3A_51 = arith.extui %lt3A_50 : i1 to i32
        %cond3A_52 = arith.constant 0 : i32
        %cond3A_53 = arith.cmpi ne, %convert_element_type3A_51, %cond3A_52 : i32
        scf.if %cond3A_53 {
          %add3A_58 = arith.constant 2 : i32
          %add3A_59 = arith.addi %add3A_44, %add3A_58 : i32
          %sub3A_60 = arith.constant 1 : i32
          %sub3A_61 = arith.subi %add3A_59, %sub3A_60 : i32
          %mul3A_62 = arith.constant 184 : i32
          %mul3A_63 = arith.muli %sub3A_61, %mul3A_62 : i32
          %add3A_64 = arith.addi %mul3A_11, %mul3A_63 : i32
          "tpu.region"() ({
            %run_scoped3A = tpu.sem_alloc : memref<!tpu.dma_semaphore, #tpu.memory_space<semaphore_mem>>
            %dma_start3A_68 = tpu.memref_slice %arg4[%add3A_64] : memref<329728xi32, #tpu.memory_space<hbm>> -> memref<184xi32, #tpu.memory_space<hbm>>
            %dma_start3A_69 = tpu.memref_slice %arg4[%add3A_64] : memref<329728xi32, #tpu.memory_space<hbm>> -> memref<184xi32, #tpu.memory_space<hbm>>
            tpu.enqueue_dma source(%dma_start3A_69 : memref<184xi32, #tpu.memory_space<hbm>>) target(%arg8 : memref<184xi32, #tpu.memory_space<vmem>>) target_semaphore(%run_scoped3A : memref<!tpu.dma_semaphore, #tpu.memory_space<semaphore_mem>>)
            %dma_wait3A_70 = tpu.memref_slice %arg4[%add3A_64] : memref<329728xi32, #tpu.memory_space<hbm>> -> memref<184xi32, #tpu.memory_space<hbm>>
            %dma_wait3A_71 = tpu.memref_slice %arg4[%add3A_64] : memref<329728xi32, #tpu.memory_space<hbm>> -> memref<184xi32, #tpu.memory_space<hbm>>
            tpu.wait_dma2 semaphore(%run_scoped3A : memref<!tpu.dma_semaphore, #tpu.memory_space<semaphore_mem>>) src(%dma_wait3A_71 : memref<184xi32, #tpu.memory_space<hbm>>) dst(%arg8 : memref<184xi32, #tpu.memory_space<vmem>>)
            tpu.yield
          }) : () -> ()
          "tpu.region"() ({
            %run_scoped3A = tpu.sem_alloc : memref<!tpu.dma_semaphore, #tpu.memory_space<semaphore_mem>>
            %dma_start3A_68 = tpu.memref_slice %arg5[%add3A_64] : memref<329728xi32, #tpu.memory_space<hbm>> -> memref<184xi32, #tpu.memory_space<hbm>>
            %dma_start3A_69 = tpu.memref_slice %arg5[%add3A_64] : memref<329728xi32, #tpu.memory_space<hbm>> -> memref<184xi32, #tpu.memory_space<hbm>>
            tpu.enqueue_dma source(%dma_start3A_69 : memref<184xi32, #tpu.memory_space<hbm>>) target(%arg10 : memref<184xi32, #tpu.memory_space<vmem>>) target_semaphore(%run_scoped3A : memref<!tpu.dma_semaphore, #tpu.memory_space<semaphore_mem>>)
            %dma_wait3A_70 = tpu.memref_slice %arg5[%add3A_64] : memref<329728xi32, #tpu.memory_space<hbm>> -> memref<184xi32, #tpu.memory_space<hbm>>
            %dma_wait3A_71 = tpu.memref_slice %arg5[%add3A_64] : memref<329728xi32, #tpu.memory_space<hbm>> -> memref<184xi32, #tpu.memory_space<hbm>>
            tpu.wait_dma2 semaphore(%run_scoped3A : memref<!tpu.dma_semaphore, #tpu.memory_space<semaphore_mem>>) src(%dma_wait3A_71 : memref<184xi32, #tpu.memory_space<hbm>>) dst(%arg10 : memref<184xi32, #tpu.memory_space<vmem>>)
            tpu.yield
          }) : () -> ()
          %dma_start3A_65 = arith.constant 0 : i32
          %dma_start3A_66 = arith.constant 0 : i32
          %dma_start3A_67 = tpu.memref_slice %arg3[%dma_start3A_65, %dma_start3A_66] : memref<10240x128xf32, #tpu.memory_space<hbm>> -> memref<10240x128xf32, #tpu.memory_space<hbm>>
          tpu.enqueue_indirect_dma source(%dma_start3A_67 : memref<10240x128xf32, #tpu.memory_space<hbm>>) target(%arg12 : memref<184x128xf32, #tpu.memory_space<vmem>>) offsets(%arg8 : memref<184xi32, #tpu.memory_space<vmem>>) semaphore(%arg15 : memref<!tpu.dma_semaphore, #tpu.memory_space<semaphore_mem>>)
        } else {
        }
        %dma_wait3A_54 = arith.constant 0 : i32
        %dma_wait3A_55 = arith.constant 0 : i32
        %dma_wait3A_56 = tpu.memref_slice %arg3[%dma_wait3A_54, %dma_wait3A_55] : memref<10240x128xf32, #tpu.memory_space<hbm>> -> memref<10240x128xf32, #tpu.memory_space<hbm>>
        tpu.wait_indirect_dma semaphore(%arg16 : memref<!tpu.dma_semaphore, #tpu.memory_space<semaphore_mem>>) src(%dma_wait3A_56 : memref<10240x128xf32, #tpu.memory_space<hbm>>) dst(%arg13 : memref<184x128xf32, #tpu.memory_space<vmem>>)
        "tpu.region"() ({
          %run_scoped3A = tpu.sem_alloc : memref<!tpu.dma_semaphore, #tpu.memory_space<semaphore_mem>>
          %dma_start3A_58 = arith.constant 0 : i32
          %dma_start3A_59 = arith.constant 0 : i32
          %dma_start3A_60 = tpu.memref_slice %arg14[%dma_start3A_58, %dma_start3A_59] : memref<10240x128xf32, #tpu.memory_space<vmem_shared>> -> memref<10240x128xf32, #tpu.memory_space<vmem_shared>>
          tpu.enqueue_indirect_dma source(%arg13 : memref<184x128xf32, #tpu.memory_space<vmem>>) target(%dma_start3A_60 : memref<10240x128xf32, #tpu.memory_space<vmem_shared>>) offsets(%arg11 : memref<184xi32, #tpu.memory_space<vmem>>) semaphore(%run_scoped3A : memref<!tpu.dma_semaphore, #tpu.memory_space<semaphore_mem>>) {add = true}
          %dma_wait3A_61 = arith.constant 0 : i32
          %dma_wait3A_62 = arith.constant 0 : i32
          %dma_wait3A_63 = tpu.memref_slice %arg14[%dma_wait3A_61, %dma_wait3A_62] : memref<10240x128xf32, #tpu.memory_space<vmem_shared>> -> memref<10240x128xf32, #tpu.memory_space<vmem_shared>>
          tpu.wait_indirect_dma semaphore(%run_scoped3A : memref<!tpu.dma_semaphore, #tpu.memory_space<semaphore_mem>>) src(%arg13 : memref<184x128xf32, #tpu.memory_space<vmem>>) dst(%dma_wait3A_63 : memref<10240x128xf32, #tpu.memory_space<vmem_shared>>)
          tpu.yield
        }) : () -> ()
        %scan3A_57 = arith.constant 0 : i32
        scf.yield %scan3A_57 : i32
      }
      %scan3A_20 = arith.constant 56 : i32
      %barrier3A_21 = arith.constant 0 : index
      tpu.barrier barrier_id(%barrier3A_21)
      %mul3A_22 = arith.constant 640 : i32
      %mul3A_23 = arith.muli %arg1, %mul3A_22 : i32
      %mul3A_24 = arith.constant 640 : i32
      %mul3A_25 = arith.muli %arg1, %mul3A_24 : i32
      "tpu.region"() ({
        %run_scoped3A = tpu.sem_alloc : memref<!tpu.dma_semaphore, #tpu.memory_space<semaphore_mem>>
        %dma_start3A_26 = arith.constant 0 : i32
        %dma_start3A_27 = tpu.memref_slice %arg7[%mul3A_25, %dma_start3A_26] : memref<10240x128xf32, #tpu.memory_space<hbm>> -> memref<640x128xf32, #tpu.memory_space<hbm>>
        %dma_start3A_28 = arith.constant 0 : i32
        %dma_start3A_29 = tpu.memref_slice %arg14[%mul3A_23, %dma_start3A_28] : memref<10240x128xf32, #tpu.memory_space<vmem_shared>> -> memref<640x128xf32, #tpu.memory_space<vmem_shared>>
        tpu.enqueue_dma source(%dma_start3A_29 : memref<640x128xf32, #tpu.memory_space<vmem_shared>>) target(%dma_start3A_27 : memref<640x128xf32, #tpu.memory_space<hbm>>) target_semaphore(%run_scoped3A : memref<!tpu.dma_semaphore, #tpu.memory_space<semaphore_mem>>)
        %dma_wait3A = arith.constant 0 : i32
        %dma_wait3A_30 = tpu.memref_slice %arg7[%mul3A_25, %dma_wait3A] : memref<10240x128xf32, #tpu.memory_space<hbm>> -> memref<640x128xf32, #tpu.memory_space<hbm>>
        %dma_wait3A_31 = arith.constant 0 : i32
        %dma_wait3A_32 = tpu.memref_slice %arg14[%mul3A_23, %dma_wait3A_31] : memref<10240x128xf32, #tpu.memory_space<vmem_shared>> -> memref<640x128xf32, #tpu.memory_space<vmem_shared>>
        tpu.wait_dma2 semaphore(%run_scoped3A : memref<!tpu.dma_semaphore, #tpu.memory_space<semaphore_mem>>) src(%dma_wait3A_32 : memref<640x128xf32, #tpu.memory_space<vmem_shared>>) dst(%dma_wait3A_30 : memref<640x128xf32, #tpu.memory_space<hbm>>)
        tpu.yield
      }) : () -> ()
    } else {
    }
    return
  }
}

#map = affine_map<(d0, d1) -> (0, 0)>
#map1 = affine_map<(d0, d1) -> (0)>
module attributes {stable_mosaic.version = 14 : i64} {
  func.func @_agg_full_body(%arg0: i32, %arg1: i32, %arg2: memref<10240x128xf32, #tpu.memory_space<hbm>>, %arg3: memref<329728xi32, #tpu.memory_space<hbm>>, %arg4: memref<329728xi32, #tpu.memory_space<hbm>>, %arg5: memref<10240x128xf32, #tpu.memory_space<hbm>>, %arg6: memref<10240x128xf32, #tpu.memory_space<hbm>>, %arg7: memref<184xi32, #tpu.memory_space<vmem>>, %arg8: memref<184xi32, #tpu.memory_space<vmem>>, %arg9: memref<184xi32, #tpu.memory_space<vmem>>, %arg10: memref<184xi32, #tpu.memory_space<vmem>>, %arg11: memref<184x128xf32, #tpu.memory_space<vmem>>, %arg12: memref<184x128xf32, #tpu.memory_space<vmem>>, %arg13: memref<10240x128xf32, #tpu.memory_space<vmem_shared>>, %arg14: memref<!tpu.dma_semaphore, #tpu.memory_space<semaphore_mem>>, %arg15: memref<!tpu.dma_semaphore, #tpu.memory_space<semaphore_mem>>) attributes {dimension_semantics = [#tpu.dimension_semantics<core_parallel>, #tpu.dimension_semantics<subcore_parallel>], iteration_bounds = array<i64: 2, 16>, scalar_prefetch = 0 : i64, scratch_operands = 9 : i64, tpu.core_type = #tpu.core_type<sc_vector_subcore>, window_params = [{transform_indices = #map}, {transform_indices = #map1}, {transform_indices = #map1}, {transform_indices = #map}, {transform_indices = #map}]} {
    %mul3A = arith.constant 640 : i32
    %mul3A_0 = arith.muli %arg1, %mul3A : i32
    %mul3A_1 = arith.constant 640 : i32
    %mul3A_2 = arith.muli %arg1, %mul3A_1 : i32
    "tpu.region"() ({
      %run_scoped3A = tpu.sem_alloc : memref<!tpu.dma_semaphore, #tpu.memory_space<semaphore_mem>>
      %dma_start3A_25 = arith.constant 0 : i32
      %dma_start3A_26 = tpu.memref_slice %arg13[%mul3A_2, %dma_start3A_25] : memref<10240x128xf32, #tpu.memory_space<vmem_shared>> -> memref<640x128xf32, #tpu.memory_space<vmem_shared>>
      %dma_start3A_27 = arith.constant 0 : i32
      %dma_start3A_28 = tpu.memref_slice %arg2[%mul3A_0, %dma_start3A_27] : memref<10240x128xf32, #tpu.memory_space<hbm>> -> memref<640x128xf32, #tpu.memory_space<hbm>>
      tpu.enqueue_dma source(%dma_start3A_28 : memref<640x128xf32, #tpu.memory_space<hbm>>) target(%dma_start3A_26 : memref<640x128xf32, #tpu.memory_space<vmem_shared>>) target_semaphore(%run_scoped3A : memref<!tpu.dma_semaphore, #tpu.memory_space<semaphore_mem>>)
      %dma_wait3A = arith.constant 0 : i32
      %dma_wait3A_29 = tpu.memref_slice %arg13[%mul3A_2, %dma_wait3A] : memref<10240x128xf32, #tpu.memory_space<vmem_shared>> -> memref<640x128xf32, #tpu.memory_space<vmem_shared>>
      %dma_wait3A_30 = arith.constant 0 : i32
      %dma_wait3A_31 = tpu.memref_slice %arg2[%mul3A_0, %dma_wait3A_30] : memref<10240x128xf32, #tpu.memory_space<hbm>> -> memref<640x128xf32, #tpu.memory_space<hbm>>
      tpu.wait_dma2 semaphore(%run_scoped3A : memref<!tpu.dma_semaphore, #tpu.memory_space<semaphore_mem>>) src(%dma_wait3A_31 : memref<640x128xf32, #tpu.memory_space<hbm>>) dst(%dma_wait3A_29 : memref<640x128xf32, #tpu.memory_space<vmem_shared>>)
      tpu.yield
    }) : () -> ()
    %barrier3A = arith.constant 0 : index
    tpu.barrier barrier_id(%barrier3A)
    %mul3A_3 = arith.constant 164864 : i32
    %mul3A_4 = arith.muli %arg0, %mul3A_3 : i32
    %mul3A_5 = arith.constant 10304 : i32
    %mul3A_6 = arith.muli %arg1, %mul3A_5 : i32
    %add3A = arith.addi %mul3A_4, %mul3A_6 : i32
    %add3A_7 = arith.constant 0 : i32
    %add3A_8 = arith.addi %add3A, %add3A_7 : i32
    "tpu.region"() ({
      %run_scoped3A = tpu.sem_alloc : memref<!tpu.dma_semaphore, #tpu.memory_space<semaphore_mem>>
      %dma_start3A_25 = tpu.memref_slice %arg3[%add3A_8] : memref<329728xi32, #tpu.memory_space<hbm>> -> memref<184xi32, #tpu.memory_space<hbm>>
      %dma_start3A_26 = tpu.memref_slice %arg3[%add3A_8] : memref<329728xi32, #tpu.memory_space<hbm>> -> memref<184xi32, #tpu.memory_space<hbm>>
      tpu.enqueue_dma source(%dma_start3A_26 : memref<184xi32, #tpu.memory_space<hbm>>) target(%arg7 : memref<184xi32, #tpu.memory_space<vmem>>) target_semaphore(%run_scoped3A : memref<!tpu.dma_semaphore, #tpu.memory_space<semaphore_mem>>)
      %dma_wait3A = tpu.memref_slice %arg3[%add3A_8] : memref<329728xi32, #tpu.memory_space<hbm>> -> memref<184xi32, #tpu.memory_space<hbm>>
      %dma_wait3A_27 = tpu.memref_slice %arg3[%add3A_8] : memref<329728xi32, #tpu.memory_space<hbm>> -> memref<184xi32, #tpu.memory_space<hbm>>
      tpu.wait_dma2 semaphore(%run_scoped3A : memref<!tpu.dma_semaphore, #tpu.memory_space<semaphore_mem>>) src(%dma_wait3A_27 : memref<184xi32, #tpu.memory_space<hbm>>) dst(%arg7 : memref<184xi32, #tpu.memory_space<vmem>>)
      tpu.yield
    }) : () -> ()
    "tpu.region"() ({
      %run_scoped3A = tpu.sem_alloc : memref<!tpu.dma_semaphore, #tpu.memory_space<semaphore_mem>>
      %dma_start3A_25 = tpu.memref_slice %arg4[%add3A_8] : memref<329728xi32, #tpu.memory_space<hbm>> -> memref<184xi32, #tpu.memory_space<hbm>>
      %dma_start3A_26 = tpu.memref_slice %arg4[%add3A_8] : memref<329728xi32, #tpu.memory_space<hbm>> -> memref<184xi32, #tpu.memory_space<hbm>>
      tpu.enqueue_dma source(%dma_start3A_26 : memref<184xi32, #tpu.memory_space<hbm>>) target(%arg9 : memref<184xi32, #tpu.memory_space<vmem>>) target_semaphore(%run_scoped3A : memref<!tpu.dma_semaphore, #tpu.memory_space<semaphore_mem>>)
      %dma_wait3A = tpu.memref_slice %arg4[%add3A_8] : memref<329728xi32, #tpu.memory_space<hbm>> -> memref<184xi32, #tpu.memory_space<hbm>>
      %dma_wait3A_27 = tpu.memref_slice %arg4[%add3A_8] : memref<329728xi32, #tpu.memory_space<hbm>> -> memref<184xi32, #tpu.memory_space<hbm>>
      tpu.wait_dma2 semaphore(%run_scoped3A : memref<!tpu.dma_semaphore, #tpu.memory_space<semaphore_mem>>) src(%dma_wait3A_27 : memref<184xi32, #tpu.memory_space<hbm>>) dst(%arg9 : memref<184xi32, #tpu.memory_space<vmem>>)
      tpu.yield
    }) : () -> ()
    %dma_start3A = arith.constant 0 : i32
    %dma_start3A_9 = arith.constant 0 : i32
    %dma_start3A_10 = tpu.memref_slice %arg2[%dma_start3A, %dma_start3A_9] : memref<10240x128xf32, #tpu.memory_space<hbm>> -> memref<10240x128xf32, #tpu.memory_space<hbm>>
    tpu.enqueue_indirect_dma source(%dma_start3A_10 : memref<10240x128xf32, #tpu.memory_space<hbm>>) target(%arg11 : memref<184x128xf32, #tpu.memory_space<vmem>>) offsets(%arg7 : memref<184xi32, #tpu.memory_space<vmem>>) semaphore(%arg14 : memref<!tpu.dma_semaphore, #tpu.memory_space<semaphore_mem>>)
    %scan3A = arith.constant 0 : i32
    %scan3A_11 = arith.constant 0 : i32
    %scan3A_12 = arith.constant 28 : i32
    %scan3A_13 = arith.addi %scan3A_11, %scan3A_12 : i32
    %scan3A_14 = arith.constant 1 : i32
    %scan3A_15 = scf.for %scan3A_25 = %scan3A_11 to %scan3A_13 step %scan3A_14 iter_args(%scan3A_26 = %scan3A) -> (i32)  : i32 {
      %mul3A_27 = arith.constant 2 : i32
      %mul3A_28 = arith.muli %scan3A_25, %mul3A_27 : i32
      %add3A_29 = arith.constant 0 : i32
      %add3A_30 = arith.addi %mul3A_28, %add3A_29 : i32
      %add3A_31 = arith.constant 2 : i32
      %add3A_32 = arith.addi %add3A_30, %add3A_31 : i32
      %sub3A = arith.constant 1 : i32
      %sub3A_33 = arith.subi %add3A_32, %sub3A : i32
      %lt3A = arith.constant 56 : i32
      %lt3A_34 = arith.cmpi slt, %sub3A_33, %lt3A : i32
      %convert_element_type3A_35 = arith.extui %lt3A_34 : i1 to i32
      %cond3A_36 = arith.constant 0 : i32
      %cond3A_37 = arith.cmpi ne, %convert_element_type3A_35, %cond3A_36 : i32
      scf.if %cond3A_37 {
        %add3A_57 = arith.constant 2 : i32
        %add3A_58 = arith.addi %add3A_30, %add3A_57 : i32
        %sub3A_59 = arith.constant 1 : i32
        %sub3A_60 = arith.subi %add3A_58, %sub3A_59 : i32
        %mul3A_61 = arith.constant 184 : i32
        %mul3A_62 = arith.muli %sub3A_60, %mul3A_61 : i32
        %add3A_63 = arith.addi %add3A, %mul3A_62 : i32
        "tpu.region"() ({
          %run_scoped3A = tpu.sem_alloc : memref<!tpu.dma_semaphore, #tpu.memory_space<semaphore_mem>>
          %dma_start3A_67 = tpu.memref_slice %arg3[%add3A_63] : memref<329728xi32, #tpu.memory_space<hbm>> -> memref<184xi32, #tpu.memory_space<hbm>>
          %dma_start3A_68 = tpu.memref_slice %arg3[%add3A_63] : memref<329728xi32, #tpu.memory_space<hbm>> -> memref<184xi32, #tpu.memory_space<hbm>>
          tpu.enqueue_dma source(%dma_start3A_68 : memref<184xi32, #tpu.memory_space<hbm>>) target(%arg8 : memref<184xi32, #tpu.memory_space<vmem>>) target_semaphore(%run_scoped3A : memref<!tpu.dma_semaphore, #tpu.memory_space<semaphore_mem>>)
          %dma_wait3A_69 = tpu.memref_slice %arg3[%add3A_63] : memref<329728xi32, #tpu.memory_space<hbm>> -> memref<184xi32, #tpu.memory_space<hbm>>
          %dma_wait3A_70 = tpu.memref_slice %arg3[%add3A_63] : memref<329728xi32, #tpu.memory_space<hbm>> -> memref<184xi32, #tpu.memory_space<hbm>>
          tpu.wait_dma2 semaphore(%run_scoped3A : memref<!tpu.dma_semaphore, #tpu.memory_space<semaphore_mem>>) src(%dma_wait3A_70 : memref<184xi32, #tpu.memory_space<hbm>>) dst(%arg8 : memref<184xi32, #tpu.memory_space<vmem>>)
          tpu.yield
        }) : () -> ()
        "tpu.region"() ({
          %run_scoped3A = tpu.sem_alloc : memref<!tpu.dma_semaphore, #tpu.memory_space<semaphore_mem>>
          %dma_start3A_67 = tpu.memref_slice %arg4[%add3A_63] : memref<329728xi32, #tpu.memory_space<hbm>> -> memref<184xi32, #tpu.memory_space<hbm>>
          %dma_start3A_68 = tpu.memref_slice %arg4[%add3A_63] : memref<329728xi32, #tpu.memory_space<hbm>> -> memref<184xi32, #tpu.memory_space<hbm>>
          tpu.enqueue_dma source(%dma_start3A_68 : memref<184xi32, #tpu.memory_space<hbm>>) target(%arg10 : memref<184xi32, #tpu.memory_space<vmem>>) target_semaphore(%run_scoped3A : memref<!tpu.dma_semaphore, #tpu.memory_space<semaphore_mem>>)
          %dma_wait3A_69 = tpu.memref_slice %arg4[%add3A_63] : memref<329728xi32, #tpu.memory_space<hbm>> -> memref<184xi32, #tpu.memory_space<hbm>>
          %dma_wait3A_70 = tpu.memref_slice %arg4[%add3A_63] : memref<329728xi32, #tpu.memory_space<hbm>> -> memref<184xi32, #tpu.memory_space<hbm>>
          tpu.wait_dma2 semaphore(%run_scoped3A : memref<!tpu.dma_semaphore, #tpu.memory_space<semaphore_mem>>) src(%dma_wait3A_70 : memref<184xi32, #tpu.memory_space<hbm>>) dst(%arg10 : memref<184xi32, #tpu.memory_space<vmem>>)
          tpu.yield
        }) : () -> ()
        %dma_start3A_64 = arith.constant 0 : i32
        %dma_start3A_65 = arith.constant 0 : i32
        %dma_start3A_66 = tpu.memref_slice %arg2[%dma_start3A_64, %dma_start3A_65] : memref<10240x128xf32, #tpu.memory_space<hbm>> -> memref<10240x128xf32, #tpu.memory_space<hbm>>
        tpu.enqueue_indirect_dma source(%dma_start3A_66 : memref<10240x128xf32, #tpu.memory_space<hbm>>) target(%arg12 : memref<184x128xf32, #tpu.memory_space<vmem>>) offsets(%arg8 : memref<184xi32, #tpu.memory_space<vmem>>) semaphore(%arg15 : memref<!tpu.dma_semaphore, #tpu.memory_space<semaphore_mem>>)
      } else {
      }
      %dma_wait3A = arith.constant 0 : i32
      %dma_wait3A_38 = arith.constant 0 : i32
      %dma_wait3A_39 = tpu.memref_slice %arg2[%dma_wait3A, %dma_wait3A_38] : memref<10240x128xf32, #tpu.memory_space<hbm>> -> memref<10240x128xf32, #tpu.memory_space<hbm>>
      tpu.wait_indirect_dma semaphore(%arg14 : memref<!tpu.dma_semaphore, #tpu.memory_space<semaphore_mem>>) src(%dma_wait3A_39 : memref<10240x128xf32, #tpu.memory_space<hbm>>) dst(%arg11 : memref<184x128xf32, #tpu.memory_space<vmem>>)
      "tpu.region"() ({
        %run_scoped3A = tpu.sem_alloc : memref<!tpu.dma_semaphore, #tpu.memory_space<semaphore_mem>>
        %dma_start3A_57 = arith.constant 0 : i32
        %dma_start3A_58 = arith.constant 0 : i32
        %dma_start3A_59 = tpu.memref_slice %arg13[%dma_start3A_57, %dma_start3A_58] : memref<10240x128xf32, #tpu.memory_space<vmem_shared>> -> memref<10240x128xf32, #tpu.memory_space<vmem_shared>>
        tpu.enqueue_indirect_dma source(%arg11 : memref<184x128xf32, #tpu.memory_space<vmem>>) target(%dma_start3A_59 : memref<10240x128xf32, #tpu.memory_space<vmem_shared>>) offsets(%arg9 : memref<184xi32, #tpu.memory_space<vmem>>) semaphore(%run_scoped3A : memref<!tpu.dma_semaphore, #tpu.memory_space<semaphore_mem>>) {add = true}
        %dma_wait3A_60 = arith.constant 0 : i32
        %dma_wait3A_61 = arith.constant 0 : i32
        %dma_wait3A_62 = tpu.memref_slice %arg13[%dma_wait3A_60, %dma_wait3A_61] : memref<10240x128xf32, #tpu.memory_space<vmem_shared>> -> memref<10240x128xf32, #tpu.memory_space<vmem_shared>>
        tpu.wait_indirect_dma semaphore(%run_scoped3A : memref<!tpu.dma_semaphore, #tpu.memory_space<semaphore_mem>>) src(%arg11 : memref<184x128xf32, #tpu.memory_space<vmem>>) dst(%dma_wait3A_62 : memref<10240x128xf32, #tpu.memory_space<vmem_shared>>)
        tpu.yield
      }) : () -> ()
      %mul3A_40 = arith.constant 2 : i32
      %mul3A_41 = arith.muli %scan3A_25, %mul3A_40 : i32
      %add3A_42 = arith.constant 1 : i32
      %add3A_43 = arith.addi %mul3A_41, %add3A_42 : i32
      %add3A_44 = arith.constant 2 : i32
      %add3A_45 = arith.addi %add3A_43, %add3A_44 : i32
      %sub3A_46 = arith.constant 1 : i32
      %sub3A_47 = arith.subi %add3A_45, %sub3A_46 : i32
      %lt3A_48 = arith.constant 56 : i32
      %lt3A_49 = arith.cmpi slt, %sub3A_47, %lt3A_48 : i32
      %convert_element_type3A_50 = arith.extui %lt3A_49 : i1 to i32
      %cond3A_51 = arith.constant 0 : i32
      %cond3A_52 = arith.cmpi ne, %convert_element_type3A_50, %cond3A_51 : i32
      scf.if %cond3A_52 {
        %add3A_57 = arith.constant 2 : i32
        %add3A_58 = arith.addi %add3A_43, %add3A_57 : i32
        %sub3A_59 = arith.constant 1 : i32
        %sub3A_60 = arith.subi %add3A_58, %sub3A_59 : i32
        %mul3A_61 = arith.constant 184 : i32
        %mul3A_62 = arith.muli %sub3A_60, %mul3A_61 : i32
        %add3A_63 = arith.addi %add3A, %mul3A_62 : i32
        "tpu.region"() ({
          %run_scoped3A = tpu.sem_alloc : memref<!tpu.dma_semaphore, #tpu.memory_space<semaphore_mem>>
          %dma_start3A_67 = tpu.memref_slice %arg3[%add3A_63] : memref<329728xi32, #tpu.memory_space<hbm>> -> memref<184xi32, #tpu.memory_space<hbm>>
          %dma_start3A_68 = tpu.memref_slice %arg3[%add3A_63] : memref<329728xi32, #tpu.memory_space<hbm>> -> memref<184xi32, #tpu.memory_space<hbm>>
          tpu.enqueue_dma source(%dma_start3A_68 : memref<184xi32, #tpu.memory_space<hbm>>) target(%arg7 : memref<184xi32, #tpu.memory_space<vmem>>) target_semaphore(%run_scoped3A : memref<!tpu.dma_semaphore, #tpu.memory_space<semaphore_mem>>)
          %dma_wait3A_69 = tpu.memref_slice %arg3[%add3A_63] : memref<329728xi32, #tpu.memory_space<hbm>> -> memref<184xi32, #tpu.memory_space<hbm>>
          %dma_wait3A_70 = tpu.memref_slice %arg3[%add3A_63] : memref<329728xi32, #tpu.memory_space<hbm>> -> memref<184xi32, #tpu.memory_space<hbm>>
          tpu.wait_dma2 semaphore(%run_scoped3A : memref<!tpu.dma_semaphore, #tpu.memory_space<semaphore_mem>>) src(%dma_wait3A_70 : memref<184xi32, #tpu.memory_space<hbm>>) dst(%arg7 : memref<184xi32, #tpu.memory_space<vmem>>)
          tpu.yield
        }) : () -> ()
        "tpu.region"() ({
          %run_scoped3A = tpu.sem_alloc : memref<!tpu.dma_semaphore, #tpu.memory_space<semaphore_mem>>
          %dma_start3A_67 = tpu.memref_slice %arg4[%add3A_63] : memref<329728xi32, #tpu.memory_space<hbm>> -> memref<184xi32, #tpu.memory_space<hbm>>
          %dma_start3A_68 = tpu.memref_slice %arg4[%add3A_63] : memref<329728xi32, #tpu.memory_space<hbm>> -> memref<184xi32, #tpu.memory_space<hbm>>
          tpu.enqueue_dma source(%dma_start3A_68 : memref<184xi32, #tpu.memory_space<hbm>>) target(%arg9 : memref<184xi32, #tpu.memory_space<vmem>>) target_semaphore(%run_scoped3A : memref<!tpu.dma_semaphore, #tpu.memory_space<semaphore_mem>>)
          %dma_wait3A_69 = tpu.memref_slice %arg4[%add3A_63] : memref<329728xi32, #tpu.memory_space<hbm>> -> memref<184xi32, #tpu.memory_space<hbm>>
          %dma_wait3A_70 = tpu.memref_slice %arg4[%add3A_63] : memref<329728xi32, #tpu.memory_space<hbm>> -> memref<184xi32, #tpu.memory_space<hbm>>
          tpu.wait_dma2 semaphore(%run_scoped3A : memref<!tpu.dma_semaphore, #tpu.memory_space<semaphore_mem>>) src(%dma_wait3A_70 : memref<184xi32, #tpu.memory_space<hbm>>) dst(%arg9 : memref<184xi32, #tpu.memory_space<vmem>>)
          tpu.yield
        }) : () -> ()
        %dma_start3A_64 = arith.constant 0 : i32
        %dma_start3A_65 = arith.constant 0 : i32
        %dma_start3A_66 = tpu.memref_slice %arg2[%dma_start3A_64, %dma_start3A_65] : memref<10240x128xf32, #tpu.memory_space<hbm>> -> memref<10240x128xf32, #tpu.memory_space<hbm>>
        tpu.enqueue_indirect_dma source(%dma_start3A_66 : memref<10240x128xf32, #tpu.memory_space<hbm>>) target(%arg11 : memref<184x128xf32, #tpu.memory_space<vmem>>) offsets(%arg7 : memref<184xi32, #tpu.memory_space<vmem>>) semaphore(%arg14 : memref<!tpu.dma_semaphore, #tpu.memory_space<semaphore_mem>>)
      } else {
      }
      %dma_wait3A_53 = arith.constant 0 : i32
      %dma_wait3A_54 = arith.constant 0 : i32
      %dma_wait3A_55 = tpu.memref_slice %arg2[%dma_wait3A_53, %dma_wait3A_54] : memref<10240x128xf32, #tpu.memory_space<hbm>> -> memref<10240x128xf32, #tpu.memory_space<hbm>>
      tpu.wait_indirect_dma semaphore(%arg15 : memref<!tpu.dma_semaphore, #tpu.memory_space<semaphore_mem>>) src(%dma_wait3A_55 : memref<10240x128xf32, #tpu.memory_space<hbm>>) dst(%arg12 : memref<184x128xf32, #tpu.memory_space<vmem>>)
      "tpu.region"() ({
        %run_scoped3A = tpu.sem_alloc : memref<!tpu.dma_semaphore, #tpu.memory_space<semaphore_mem>>
        %dma_start3A_57 = arith.constant 0 : i32
        %dma_start3A_58 = arith.constant 0 : i32
        %dma_start3A_59 = tpu.memref_slice %arg13[%dma_start3A_57, %dma_start3A_58] : memref<10240x128xf32, #tpu.memory_space<vmem_shared>> -> memref<10240x128xf32, #tpu.memory_space<vmem_shared>>
        tpu.enqueue_indirect_dma source(%arg12 : memref<184x128xf32, #tpu.memory_space<vmem>>) target(%dma_start3A_59 : memref<10240x128xf32, #tpu.memory_space<vmem_shared>>) offsets(%arg10 : memref<184xi32, #tpu.memory_space<vmem>>) semaphore(%run_scoped3A : memref<!tpu.dma_semaphore, #tpu.memory_space<semaphore_mem>>) {add = true}
        %dma_wait3A_60 = arith.constant 0 : i32
        %dma_wait3A_61 = arith.constant 0 : i32
        %dma_wait3A_62 = tpu.memref_slice %arg13[%dma_wait3A_60, %dma_wait3A_61] : memref<10240x128xf32, #tpu.memory_space<vmem_shared>> -> memref<10240x128xf32, #tpu.memory_space<vmem_shared>>
        tpu.wait_indirect_dma semaphore(%run_scoped3A : memref<!tpu.dma_semaphore, #tpu.memory_space<semaphore_mem>>) src(%arg12 : memref<184x128xf32, #tpu.memory_space<vmem>>) dst(%dma_wait3A_62 : memref<10240x128xf32, #tpu.memory_space<vmem_shared>>)
        tpu.yield
      }) : () -> ()
      %scan3A_56 = arith.constant 0 : i32
      scf.yield %scan3A_56 : i32
    }
    %scan3A_16 = arith.constant 28 : i32
    %barrier3A_17 = arith.constant 0 : index
    tpu.barrier barrier_id(%barrier3A_17)
    %eq3A = arith.constant 0 : i32
    %eq3A_18 = arith.cmpi eq, %arg0, %eq3A : i32
    %convert_element_type3A = arith.extui %eq3A_18 : i1 to i32
    %cond3A = arith.constant 0 : i32
    %cond3A_19 = arith.cmpi ne, %convert_element_type3A, %cond3A : i32
    scf.if %cond3A_19 {
      %mul3A_25 = arith.constant 640 : i32
      %mul3A_26 = arith.muli %arg1, %mul3A_25 : i32
      %mul3A_27 = arith.constant 640 : i32
      %mul3A_28 = arith.muli %arg1, %mul3A_27 : i32
      "tpu.region"() ({
        %run_scoped3A = tpu.sem_alloc : memref<!tpu.dma_semaphore, #tpu.memory_space<semaphore_mem>>
        %dma_start3A_29 = arith.constant 0 : i32
        %dma_start3A_30 = tpu.memref_slice %arg5[%mul3A_28, %dma_start3A_29] : memref<10240x128xf32, #tpu.memory_space<hbm>> -> memref<640x128xf32, #tpu.memory_space<hbm>>
        %dma_start3A_31 = arith.constant 0 : i32
        %dma_start3A_32 = tpu.memref_slice %arg13[%mul3A_26, %dma_start3A_31] : memref<10240x128xf32, #tpu.memory_space<vmem_shared>> -> memref<640x128xf32, #tpu.memory_space<vmem_shared>>
        tpu.enqueue_dma source(%dma_start3A_32 : memref<640x128xf32, #tpu.memory_space<vmem_shared>>) target(%dma_start3A_30 : memref<640x128xf32, #tpu.memory_space<hbm>>) target_semaphore(%run_scoped3A : memref<!tpu.dma_semaphore, #tpu.memory_space<semaphore_mem>>)
        %dma_wait3A = arith.constant 0 : i32
        %dma_wait3A_33 = tpu.memref_slice %arg5[%mul3A_28, %dma_wait3A] : memref<10240x128xf32, #tpu.memory_space<hbm>> -> memref<640x128xf32, #tpu.memory_space<hbm>>
        %dma_wait3A_34 = arith.constant 0 : i32
        %dma_wait3A_35 = tpu.memref_slice %arg13[%mul3A_26, %dma_wait3A_34] : memref<10240x128xf32, #tpu.memory_space<vmem_shared>> -> memref<640x128xf32, #tpu.memory_space<vmem_shared>>
        tpu.wait_dma2 semaphore(%run_scoped3A : memref<!tpu.dma_semaphore, #tpu.memory_space<semaphore_mem>>) src(%dma_wait3A_35 : memref<640x128xf32, #tpu.memory_space<vmem_shared>>) dst(%dma_wait3A_33 : memref<640x128xf32, #tpu.memory_space<hbm>>)
        tpu.yield
      }) : () -> ()
    } else {
    }
    %eq3A_20 = arith.constant 1 : i32
    %eq3A_21 = arith.cmpi eq, %arg0, %eq3A_20 : i32
    %convert_element_type3A_22 = arith.extui %eq3A_21 : i1 to i32
    %cond3A_23 = arith.constant 0 : i32
    %cond3A_24 = arith.cmpi ne, %convert_element_type3A_22, %cond3A_23 : i32
    scf.if %cond3A_24 {
      %mul3A_25 = arith.constant 640 : i32
      %mul3A_26 = arith.muli %arg1, %mul3A_25 : i32
      %mul3A_27 = arith.constant 640 : i32
      %mul3A_28 = arith.muli %arg1, %mul3A_27 : i32
      "tpu.region"() ({
        %run_scoped3A = tpu.sem_alloc : memref<!tpu.dma_semaphore, #tpu.memory_space<semaphore_mem>>
        %dma_start3A_29 = arith.constant 0 : i32
        %dma_start3A_30 = tpu.memref_slice %arg6[%mul3A_28, %dma_start3A_29] : memref<10240x128xf32, #tpu.memory_space<hbm>> -> memref<640x128xf32, #tpu.memory_space<hbm>>
        %dma_start3A_31 = arith.constant 0 : i32
        %dma_start3A_32 = tpu.memref_slice %arg13[%mul3A_26, %dma_start3A_31] : memref<10240x128xf32, #tpu.memory_space<vmem_shared>> -> memref<640x128xf32, #tpu.memory_space<vmem_shared>>
        tpu.enqueue_dma source(%dma_start3A_32 : memref<640x128xf32, #tpu.memory_space<vmem_shared>>) target(%dma_start3A_30 : memref<640x128xf32, #tpu.memory_space<hbm>>) target_semaphore(%run_scoped3A : memref<!tpu.dma_semaphore, #tpu.memory_space<semaphore_mem>>)
        %dma_wait3A = arith.constant 0 : i32
        %dma_wait3A_33 = tpu.memref_slice %arg6[%mul3A_28, %dma_wait3A] : memref<10240x128xf32, #tpu.memory_space<hbm>> -> memref<640x128xf32, #tpu.memory_space<hbm>>
        %dma_wait3A_34 = arith.constant 0 : i32
        %dma_wait3A_35 = tpu.memref_slice %arg13[%mul3A_26, %dma_wait3A_34] : memref<10240x128xf32, #tpu.memory_space<vmem_shared>> -> memref<640x128xf32, #tpu.memory_space<vmem_shared>>
        tpu.wait_dma2 semaphore(%run_scoped3A : memref<!tpu.dma_semaphore, #tpu.memory_space<semaphore_mem>>) src(%dma_wait3A_35 : memref<640x128xf32, #tpu.memory_space<vmem_shared>>) dst(%dma_wait3A_33 : memref<640x128xf32, #tpu.memory_space<hbm>>)
        tpu.yield
      }) : () -> ()
    } else {
    }
    return
  }
}

module attributes {stable_mosaic.version = 14 : i64} {
  func.func @_dinv_body(%arg0: memref<2x80x128xf32, #tpu.memory_space<vmem>>, %arg1: memref<80x128xf32, #tpu.memory_space<vmem>>) attributes {dimension_semantics = [], scalar_prefetch = 0 : i64, scratch_operands = 0 : i64, tpu.core_type = #tpu.core_type<tc>} {
    %get3A = arith.constant 0 : index
    %get3A_0 = arith.constant 0 : index
    %get3A_1 = arith.constant 0 : index
    %get3A_2 = vector.load %arg0[%get3A, %get3A_0, %get3A_1] : memref<2x80x128xf32, #tpu.memory_space<vmem>>, vector<1x80x128xf32>
    %get3A_3 = vector.shape_cast %get3A_2 : vector<1x80x128xf32> to vector<80x128xf32>
    %get3A_4 = arith.constant 1 : index
    %get3A_5 = arith.constant 0 : index
    %get3A_6 = arith.constant 0 : index
    %get3A_7 = vector.load %arg0[%get3A_4, %get3A_5, %get3A_6] : memref<2x80x128xf32, #tpu.memory_space<vmem>>, vector<1x80x128xf32>
    %get3A_8 = vector.shape_cast %get3A_7 : vector<1x80x128xf32> to vector<80x128xf32>
    %add3A = arith.addf %get3A_3, %get3A_8 : vector<80x128xf32>
    %add3A_9 = arith.constant 1.000000e+00 : f32
    %add3A_10 = vector.broadcast %add3A_9 : f32 to vector<80x128xf32>
    %add3A_11 = arith.addf %add3A, %add3A_10 : vector<80x128xf32>
    %rsqrt3A = math.rsqrt %add3A_11 : vector<80x128xf32>
    %swap3A = arith.constant 0 : index
    %swap3A_12 = arith.constant 0 : index
    %swap3A_13 = vector.load %arg1[%swap3A, %swap3A_12] : memref<80x128xf32, #tpu.memory_space<vmem>>, vector<80x128xf32>
    tpu.vector_store %arg1[%swap3A, %swap3A_12], %rsqrt3A {strides = array<i32>} : memref<80x128xf32, #tpu.memory_space<vmem>>, vector<80x128xf32>,
    return
  }
}

module attributes {stable_mosaic.version = 14 : i64} {
  func.func @_tc1_body(%arg0: i32, %arg1: memref<1024x128xf32, #tpu.memory_space<vmem>>, %arg2: memref<128x256xf32, #tpu.memory_space<vmem>>, %arg3: memref<1024x1xf32, #tpu.memory_space<vmem>>, %arg4: memref<1024x128xf32, #tpu.memory_space<vmem>>, %arg5: memref<1024x128xf32, #tpu.memory_space<vmem>>) attributes {dimension_semantics = [#tpu.dimension_semantics<arbitrary>], iteration_bounds = array<i64: 10>, scalar_prefetch = 0 : i64, scratch_operands = 0 : i64, tpu.core_type = #tpu.core_type<tc>, window_params = [{transform_indices = @transform_0, window_bounds = array<i64: 1024, 128>}, {pipeline_mode = #tpu.pipeline_mode<synchronous>, transform_indices = @transform_1, window_bounds = array<i64: 128, 256>}, {transform_indices = @transform_2, window_bounds = array<i64: 1024, 1>}, {transform_indices = @transform_3, window_bounds = array<i64: 1024, 128>}, {transform_indices = @transform_4, window_bounds = array<i64: 1024, 128>}]} {
    %get3A = arith.constant 0 : index
    %get3A_0 = arith.constant 0 : index
    %get3A_1 = vector.load %arg1[%get3A, %get3A_0] : memref<1024x128xf32, #tpu.memory_space<vmem>>, vector<1024x128xf32>
    %get3A_2 = arith.constant 0 : index
    %get3A_3 = arith.constant 0 : index
    %get3A_4 = vector.load %arg2[%get3A_2, %get3A_3] : memref<128x256xf32, #tpu.memory_space<vmem>>, vector<128x256xf32>
    %dot_general3A = arith.constant dense<0.000000e+00> : vector<1024x256xf32>
    %dot_general3A_5 = tpu.matmul %get3A_1, %get3A_4, %dot_general3A {dimension_numbers = #tpu.dot_dimension_numbers<[1], [0], [0], [1], [0, 0, 1, 1], [], []>, transpose_lhs_hint = false} : vector<1024x128xf32>, vector<128x256xf32>, vector<1024x256xf32> -> vector<1024x256xf32>
    %get3A_6 = arith.constant 0 : index
    %get3A_7 = arith.constant 0 : index
    %get3A_8 = vector.load %arg3[%get3A_6, %get3A_7] : memref<1024x1xf32, #tpu.memory_space<vmem>>, vector<1024x1xf32>
    %mul3A = vector.broadcast %get3A_8 : vector<1024x1xf32> to vector<1024x256xf32>
    %mul3A_9 = arith.mulf %dot_general3A_5, %mul3A : vector<1024x256xf32>
    %slice3A = vector.extract_strided_slice %mul3A_9 {offsets = [0, 0], sizes = [1024, 128], strides = [1, 1]} : vector<1024x256xf32> to vector<1024x128xf32>
    %swap3A = arith.constant 0 : index
    %swap3A_10 = arith.constant 0 : index
    %swap3A_11 = vector.load %arg4[%swap3A, %swap3A_10] : memref<1024x128xf32, #tpu.memory_space<vmem>>, vector<1024x128xf32>
    tpu.vector_store %arg4[%swap3A, %swap3A_10], %slice3A {strides = array<i32>} : memref<1024x128xf32, #tpu.memory_space<vmem>>, vector<1024x128xf32>,
    %slice3A_12 = vector.extract_strided_slice %mul3A_9 {offsets = [0, 128], sizes = [1024, 128], strides = [1, 1]} : vector<1024x256xf32> to vector<1024x128xf32>
    %swap3A_13 = arith.constant 0 : index
    %swap3A_14 = arith.constant 0 : index
    %swap3A_15 = vector.load %arg5[%swap3A_13, %swap3A_14] : memref<1024x128xf32, #tpu.memory_space<vmem>>, vector<1024x128xf32>
    tpu.vector_store %arg5[%swap3A_13, %swap3A_14], %slice3A_12 {strides = array<i32>} : memref<1024x128xf32, #tpu.memory_space<vmem>>, vector<1024x128xf32>,
    return
  }
  func.func @transform_0(%arg0: i32) -> (i32, i32) {
    %c0_i32 = arith.constant 0 : i32
    %c0_i32_0 = arith.constant 0 : i32
    return %arg0, %c0_i32 : i32, i32
  }
  func.func @transform_1(%arg0: i32) -> (i32, i32) {
    %c0_i32 = arith.constant 0 : i32
    %c0_i32_0 = arith.constant 0 : i32
    %c0_i32_1 = arith.constant 0 : i32
    return %c0_i32, %c0_i32_0 : i32, i32
  }
  func.func @transform_2(%arg0: i32) -> (i32, i32) {
    %c0_i32 = arith.constant 0 : i32
    %c0_i32_0 = arith.constant 0 : i32
    return %arg0, %c0_i32 : i32, i32
  }
  func.func @transform_3(%arg0: i32) -> (i32, i32) {
    %c0_i32 = arith.constant 0 : i32
    %c0_i32_0 = arith.constant 0 : i32
    return %arg0, %c0_i32 : i32, i32
  }
  func.func @transform_4(%arg0: i32) -> (i32, i32) {
    %c0_i32 = arith.constant 0 : i32
    %c0_i32_0 = arith.constant 0 : i32
    return %arg0, %c0_i32 : i32, i32
  }
}

module attributes {stable_mosaic.version = 14 : i64} {
  func.func @_tc2_body(%arg0: i32, %arg1: memref<1024x128xf32, #tpu.memory_space<vmem>>, %arg2: memref<1024x128xf32, #tpu.memory_space<vmem>>, %arg3: memref<1024x1xf32, #tpu.memory_space<vmem>>, %arg4: memref<1x256xf32, #tpu.memory_space<vmem>>, %arg5: memref<256x128xf32, #tpu.memory_space<vmem>>, %arg6: memref<1024x128xf32, #tpu.memory_space<vmem>>) attributes {dimension_semantics = [#tpu.dimension_semantics<arbitrary>], iteration_bounds = array<i64: 10>, scalar_prefetch = 0 : i64, scratch_operands = 0 : i64, tpu.core_type = #tpu.core_type<tc>, window_params = [{transform_indices = @transform_0, window_bounds = array<i64: 1024, 128>}, {transform_indices = @transform_1, window_bounds = array<i64: 1024, 128>}, {transform_indices = @transform_2, window_bounds = array<i64: 1024, 1>}, {pipeline_mode = #tpu.pipeline_mode<synchronous>, transform_indices = @transform_3, window_bounds = array<i64: 1, 256>}, {pipeline_mode = #tpu.pipeline_mode<synchronous>, transform_indices = @transform_4, window_bounds = array<i64: 256, 128>}, {transform_indices = @transform_5, window_bounds = array<i64: 1024, 128>}]} {
    %get3A = arith.constant 0 : index
    %get3A_0 = arith.constant 0 : index
    %get3A_1 = vector.load %arg1[%get3A, %get3A_0] : memref<1024x128xf32, #tpu.memory_space<vmem>>, vector<1024x128xf32>
    %get3A_2 = arith.constant 0 : index
    %get3A_3 = arith.constant 0 : index
    %get3A_4 = vector.load %arg2[%get3A_2, %get3A_3] : memref<1024x128xf32, #tpu.memory_space<vmem>>, vector<1024x128xf32>
    %concatenate3A = tpu.concatenate %get3A_1, %get3A_4 in 1 : vector<1024x128xf32>, vector<1024x128xf32> -> vector<1024x256xf32>
    %get3A_5 = arith.constant 0 : index
    %get3A_6 = arith.constant 0 : index
    %get3A_7 = vector.load %arg3[%get3A_5, %get3A_6] : memref<1024x1xf32, #tpu.memory_space<vmem>>, vector<1024x1xf32>
    %mul3A = vector.broadcast %get3A_7 : vector<1024x1xf32> to vector<1024x256xf32>
    %mul3A_8 = arith.mulf %concatenate3A, %mul3A : vector<1024x256xf32>
    %get3A_9 = arith.constant 0 : index
    %get3A_10 = arith.constant 0 : index
    %get3A_11 = vector.load %arg4[%get3A_9, %get3A_10] : memref<1x256xf32, #tpu.memory_space<vmem>>, vector<1x256xf32>
    %add3A = vector.broadcast %get3A_11 : vector<1x256xf32> to vector<1024x256xf32>
    %add3A_12 = arith.addf %mul3A_8, %add3A : vector<1024x256xf32>
    %gt3A = arith.constant 0.000000e+00 : f32
    %gt3A_13 = vector.broadcast %gt3A : f32 to vector<1024x256xf32>
    %gt3A_14 = arith.cmpf ogt, %add3A_12, %gt3A_13 : vector<1024x256xf32>
    %min3A = arith.constant 0.000000e+00 : f32
    %min3A_15 = vector.broadcast %min3A : f32 to vector<1024x256xf32>
    %min3A_16 = arith.minimumf %add3A_12, %min3A_15 : vector<1024x256xf32>
    %exp3A = math.exp %min3A_16 : vector<1024x256xf32>
    %sub3A = arith.constant 1.000000e+00 : f32
    %sub3A_17 = vector.broadcast %sub3A : f32 to vector<1024x256xf32>
    %sub3A_18 = arith.subf %exp3A, %sub3A_17 : vector<1024x256xf32>
    %select_n3A = arith.select %gt3A_14, %add3A_12, %sub3A_18 : vector<1024x256xi1>, vector<1024x256xf32>
    %get3A_19 = arith.constant 0 : index
    %get3A_20 = arith.constant 0 : index
    %get3A_21 = vector.load %arg5[%get3A_19, %get3A_20] : memref<256x128xf32, #tpu.memory_space<vmem>>, vector<256x128xf32>
    %dot_general3A = arith.constant dense<0.000000e+00> : vector<1024x128xf32>
    %dot_general3A_22 = tpu.matmul %select_n3A, %get3A_21, %dot_general3A {dimension_numbers = #tpu.dot_dimension_numbers<[1], [0], [0], [1], [0, 0, 1, 1], [], []>, transpose_lhs_hint = false} : vector<1024x256xf32>, vector<256x128xf32>, vector<1024x128xf32> -> vector<1024x128xf32>
    %get3A_23 = arith.constant 0 : index
    %get3A_24 = arith.constant 0 : index
    %get3A_25 = vector.load %arg3[%get3A_23, %get3A_24] : memref<1024x1xf32, #tpu.memory_space<vmem>>, vector<1024x1xf32>
    %mul3A_26 = vector.broadcast %get3A_25 : vector<1024x1xf32> to vector<1024x128xf32>
    %mul3A_27 = arith.mulf %dot_general3A_22, %mul3A_26 : vector<1024x128xf32>
    %swap3A = arith.constant 0 : index
    %swap3A_28 = arith.constant 0 : index
    %swap3A_29 = vector.load %arg6[%swap3A, %swap3A_28] : memref<1024x128xf32, #tpu.memory_space<vmem>>, vector<1024x128xf32>
    tpu.vector_store %arg6[%swap3A, %swap3A_28], %mul3A_27 {strides = array<i32>} : memref<1024x128xf32, #tpu.memory_space<vmem>>, vector<1024x128xf32>,
    return
  }
  func.func @transform_0(%arg0: i32) -> (i32, i32) {
    %c0_i32 = arith.constant 0 : i32
    %c0_i32_0 = arith.constant 0 : i32
    return %arg0, %c0_i32 : i32, i32
  }
  func.func @transform_1(%arg0: i32) -> (i32, i32) {
    %c0_i32 = arith.constant 0 : i32
    %c0_i32_0 = arith.constant 0 : i32
    return %arg0, %c0_i32 : i32, i32
  }
  func.func @transform_2(%arg0: i32) -> (i32, i32) {
    %c0_i32 = arith.constant 0 : i32
    %c0_i32_0 = arith.constant 0 : i32
    return %arg0, %c0_i32 : i32, i32
  }
  func.func @transform_3(%arg0: i32) -> (i32, i32) {
    %c0_i32 = arith.constant 0 : i32
    %c0_i32_0 = arith.constant 0 : i32
    %c0_i32_1 = arith.constant 0 : i32
    return %c0_i32, %c0_i32_0 : i32, i32
  }
  func.func @transform_4(%arg0: i32) -> (i32, i32) {
    %c0_i32 = arith.constant 0 : i32
    %c0_i32_0 = arith.constant 0 : i32
    %c0_i32_1 = arith.constant 0 : i32
    return %c0_i32, %c0_i32_0 : i32, i32
  }
  func.func @transform_5(%arg0: i32) -> (i32, i32) {
    %c0_i32 = arith.constant 0 : i32
    %c0_i32_0 = arith.constant 0 : i32
    return %arg0, %c0_i32 : i32, i32
  }
}

module attributes {stable_mosaic.version = 14 : i64} {
  func.func @_tc3_body(%arg0: i32, %arg1: memref<1024x128xf32, #tpu.memory_space<vmem>>, %arg2: memref<1024x128xf32, #tpu.memory_space<vmem>>, %arg3: memref<1024x128xf32, #tpu.memory_space<vmem>>, %arg4: memref<1024x1xf32, #tpu.memory_space<vmem>>, %arg5: memref<1x128xf32, #tpu.memory_space<vmem>>, %arg6: memref<1024x128xf32, #tpu.memory_space<vmem>>) attributes {dimension_semantics = [#tpu.dimension_semantics<arbitrary>], iteration_bounds = array<i64: 10>, scalar_prefetch = 0 : i64, scratch_operands = 0 : i64, tpu.core_type = #tpu.core_type<tc>, window_params = [{transform_indices = @transform_0, window_bounds = array<i64: 1024, 128>}, {transform_indices = @transform_1, window_bounds = array<i64: 1024, 128>}, {transform_indices = @transform_2, window_bounds = array<i64: 1024, 128>}, {transform_indices = @transform_3, window_bounds = array<i64: 1024, 1>}, {pipeline_mode = #tpu.pipeline_mode<synchronous>, transform_indices = @transform_4, window_bounds = array<i64: 1, 128>}, {transform_indices = @transform_5, window_bounds = array<i64: 1024, 128>}]} {
    %get3A = arith.constant 0 : index
    %get3A_0 = arith.constant 0 : index
    %get3A_1 = vector.load %arg1[%get3A, %get3A_0] : memref<1024x128xf32, #tpu.memory_space<vmem>>, vector<1024x128xf32>
    %get3A_2 = arith.constant 0 : index
    %get3A_3 = arith.constant 0 : index
    %get3A_4 = vector.load %arg2[%get3A_2, %get3A_3] : memref<1024x128xf32, #tpu.memory_space<vmem>>, vector<1024x128xf32>
    %add3A = arith.addf %get3A_1, %get3A_4 : vector<1024x128xf32>
    %get3A_5 = arith.constant 0 : index
    %get3A_6 = arith.constant 0 : index
    %get3A_7 = vector.load %arg3[%get3A_5, %get3A_6] : memref<1024x128xf32, #tpu.memory_space<vmem>>, vector<1024x128xf32>
    %sub3A = arith.subf %add3A, %get3A_7 : vector<1024x128xf32>
    %get3A_8 = arith.constant 0 : index
    %get3A_9 = arith.constant 0 : index
    %get3A_10 = vector.load %arg4[%get3A_8, %get3A_9] : memref<1024x1xf32, #tpu.memory_space<vmem>>, vector<1024x1xf32>
    %mul3A = vector.broadcast %get3A_10 : vector<1024x1xf32> to vector<1024x128xf32>
    %mul3A_11 = arith.mulf %sub3A, %mul3A : vector<1024x128xf32>
    %get3A_12 = arith.constant 0 : index
    %get3A_13 = arith.constant 0 : index
    %get3A_14 = vector.load %arg5[%get3A_12, %get3A_13] : memref<1x128xf32, #tpu.memory_space<vmem>>, vector<1x128xf32>
    %add3A_15 = vector.broadcast %get3A_14 : vector<1x128xf32> to vector<1024x128xf32>
    %add3A_16 = arith.addf %mul3A_11, %add3A_15 : vector<1024x128xf32>
    %gt3A = arith.constant 0.000000e+00 : f32
    %gt3A_17 = vector.broadcast %gt3A : f32 to vector<1024x128xf32>
    %gt3A_18 = arith.cmpf ogt, %add3A_16, %gt3A_17 : vector<1024x128xf32>
    %min3A = arith.constant 0.000000e+00 : f32
    %min3A_19 = vector.broadcast %min3A : f32 to vector<1024x128xf32>
    %min3A_20 = arith.minimumf %add3A_16, %min3A_19 : vector<1024x128xf32>
    %exp3A = math.exp %min3A_20 : vector<1024x128xf32>
    %sub3A_21 = arith.constant 1.000000e+00 : f32
    %sub3A_22 = vector.broadcast %sub3A_21 : f32 to vector<1024x128xf32>
    %sub3A_23 = arith.subf %exp3A, %sub3A_22 : vector<1024x128xf32>
    %select_n3A = arith.select %gt3A_18, %add3A_16, %sub3A_23 : vector<1024x128xi1>, vector<1024x128xf32>
    %swap3A = arith.constant 0 : index
    %swap3A_24 = arith.constant 0 : index
    %swap3A_25 = vector.load %arg6[%swap3A, %swap3A_24] : memref<1024x128xf32, #tpu.memory_space<vmem>>, vector<1024x128xf32>
    tpu.vector_store %arg6[%swap3A, %swap3A_24], %select_n3A {strides = array<i32>} : memref<1024x128xf32, #tpu.memory_space<vmem>>, vector<1024x128xf32>,
    return
  }
  func.func @transform_0(%arg0: i32) -> (i32, i32) {
    %c0_i32 = arith.constant 0 : i32
    %c0_i32_0 = arith.constant 0 : i32
    return %arg0, %c0_i32 : i32, i32
  }
  func.func @transform_1(%arg0: i32) -> (i32, i32) {
    %c0_i32 = arith.constant 0 : i32
    %c0_i32_0 = arith.constant 0 : i32
    return %arg0, %c0_i32 : i32, i32
  }
  func.func @transform_2(%arg0: i32) -> (i32, i32) {
    %c0_i32 = arith.constant 0 : i32
    %c0_i32_0 = arith.constant 0 : i32
    return %arg0, %c0_i32 : i32, i32
  }
  func.func @transform_3(%arg0: i32) -> (i32, i32) {
    %c0_i32 = arith.constant 0 : i32
    %c0_i32_0 = arith.constant 0 : i32
    return %arg0, %c0_i32 : i32, i32
  }
  func.func @transform_4(%arg0: i32) -> (i32, i32) {
    %c0_i32 = arith.constant 0 : i32
    %c0_i32_0 = arith.constant 0 : i32
    %c0_i32_1 = arith.constant 0 : i32
    return %c0_i32, %c0_i32_0 : i32, i32
  }
  func.func @transform_5(%arg0: i32) -> (i32, i32) {
    %c0_i32 = arith.constant 0 : i32
    %c0_i32_0 = arith.constant 0 : i32
    return %arg0, %c0_i32 : i32, i32
  }
}

</mosaic_0001>

<sc_bundles>
// kernel: kernel.12.cloned.1.call-start
scs
__scs_entry_jumppad:
0x0: {  	(pc) =	sbr.rel $0x88, $3  }
0x1: {  	(tag) =	ssettag $0x0;
	lr =	simm.s32 $0x1  }
0x2: {  	[smem:$0x3F9B] =	sst lr;
	_ =	strace $0xD0000000  }
0x3: {  	_ = 	snop  }
0x4: {  	_ = 	snop  }
0x5: {  	_ = 	snop  }
0x6: {  	_ = 	snop  }
0x7: {  	_ = 	snop  }
__scs_overlays_trampoline_lowered:
0x8: {  	[smem:$0x3FAA] =	sst s0  }
0x9: {  	[smem:$0x3FAB] =	sst s1  }
0xa: {  	[smem:$0x3FAC] =	sst s2  }
0xb: {  	[smem:$0x3FAD] =	sst s3  }
0xc: {  	[smem:$0x3FAE] =	sst s4  }
0xd: {  	[smem:$0x3FAF] =	sst s5  }
0xe: {  	[smem:$0x3FB0] =	sst s6  }
0xf: {  	[smem:$0x3FB1] =	sst s7  }
0x10: {  	[smem:$0x3FB2] =	sst s8  }
0x11: {  	[smem:$0x3FB3] =	sst s9;
	s0 =	simm.s32 @!p0 $0x0  }
0x12: {  	s1 =	sld [smem:$0x3F99];
	s0 =	simm.s32 @p0 $0x1  }
0x13: {  	[smem:$0x3FB4] =	sst s0;
	s0 =	simm.s32 @!p1 $0x0  }
0x14: {  	s2 =	sld [smem:$0x3F98];
	s0 =	simm.s32 @p1 $0x1  }
0x15: {  	[smem:$0x3FB5] =	sst s0;
	s0 =	simm.s32 @!p2 $0x0  }
0x16: {  	s3 =	sld [smem:$0x3FDB];
	s0 =	simm.s32 @p2 $0x1  }
0x17: {  	s4 =	simm.s32 $0x1BF5;
	[smem:$0x3FB7] =	sst s0  }
0x18: {  	s0 =	sld [smem:$0x3F9A];
	_ =	swait.ge [sflag:s4], $0x0  }
0x19: {  	s7 =	sld [smem:$0x3F9B]  }
0x1a: {  	s8 =	sadd.s32 $0xFFFFE003, lr  }
0x1b: {  	s9 =	sadd.s32 $0xFFFFFEF7, lr;
	s5 =	simm.s32 $0xFFFFFFFF;
	p2 =	slt.u32 s8, $0xFFFFF086  }
0x1c: {  	p1 =	slt.u32 s9, $0xF7A;
	s5 =	simm.s32 @!p2 $0x0  }
0x1d: {  	s5 =	simm.s32 @p1 $0x1;
	p0 =	seq.s32 s7, s2  }
0x1e: {  	s7 =	smul.u32 @!p0 $0xF7A, s2;
	p2 =	seq.s32 @!p0 s5, $0x0  }
0x1f: {  	s9 =	smul.u32 $0xF7A, s1;
	s8 =	simm.s32 @!p0 $0x1BF5;
	p2 =	por !p2, p0  }
0x20: {  	[sflag:s8] =	ssyncset.s32 @!p0 $0xFFFFF086;
	s6 =	sadd.s32 @!p0 s3, s7;
	s7 =	simm.s32 @!p0 $0x108  }
0x21: {  	s3 =	sadd.s32 s3, s9;
	s6 =	sadd.s32 @!p0 $0x88, s6;
	s7 =	simm.s32 @p2 $0x1082  }
0x22: {  	[simem:s7], [sflag:s8] =	dma.local @!p0 [hbm:s6], $0xF7A  }
0x23: {  	s9 =	sor.u32 $0xD0000000, s2;
	s6 =	simm.s32 $0x108;
	_ =	swait.ge @!p0 [sflag:s8], $0x0  }
0x24: {  	s3 =	sadd.s32 $0x88, s3;
	s6 =	simm.s32 @!p1 $0x1082;
	[sflag:s4] =	ssyncset.s32 $0xFFFFF086  }
0x25: {  	[simem:s6], [sflag:s4] =	dma.local [hbm:s3], $0xF7A  }
0x26: {  	[smem:$0x3F9B] =	sst s1;
	(tag) =	ssettag s2;
	_ =	strace s9  }
0x27: {  	s1 =	sld [smem:$0x3FAB]  }
0x28: {  	s2 =	sld [smem:$0x3FAC]  }
0x29: {  	s4 =	sld [smem:$0x3FAE]  }
0x2a: {  	p0 =	seq.s32 s5, $0x0;
	s5 =	sld [smem:$0x3FAF]  }
0x2b: {  	s6 =	sld [smem:$0x3FB0]  }
0x2c: {  	s7 =	sld [smem:$0x3FB1]  }
0x2d: {  	s3 =	simm.s32 $0x108;
	s8 =	sld [smem:$0x3FB2]  }
0x2e: {  	s3 =	simm.s32 @!p0 $0x1082;
	s9 =	sld [smem:$0x3FB3]  }
0x2f: {  	lr =	sadd.s32 s0, s3;
	s0 =	sld [smem:$0x3FAA]  }
0x30: {  	s3 =	sld [smem:$0x3FAD]  }
0x31: {  	[smem:$0x3FB6] =	sst s10  }
0x32: {  	s10 =	sld [smem:$0x3FB4];
	_ =	sdelay $0x3  }
0x33: {  	p0 =	seq.s32 s10, $0x1;
	s10 =	sld [smem:$0x3FB6];
	_ =	sdelay $0x3  }
0x34: {  	[smem:$0x3FB6] =	sst s10  }
0x35: {  	s10 =	sld [smem:$0x3FB5];
	_ =	sdelay $0x3  }
0x36: {  	p1 =	seq.s32 s10, $0x1;
	s10 =	sld [smem:$0x3FB6];
	_ =	sdelay $0x3  }
0x37: {  	[smem:$0x3FB6] =	sst s10  }
0x38: {  	s10 =	sld [smem:$0x3FB7]  }
0x39: {  	_ = 	snop;
	(pc) =	sbr.ind lr, $3  }
0x3a: {  	_ = 	snop  }
0x3b: {  	_ = 	snop  }
0x3c: {  	p2 =	seq.s32 s10, $0x1;
	s10 =	sld [smem:$0x3FB6]  }
0x3d: {  	_ =	shalt  }
0x3e: {  	_ =	shalt  }
0x3f: {  	_ =	shalt  }
0x40: {  	_ =	shalt  }
0x41: {  	_ =	shalt  }
0x42: {  	_ =	shalt  }
0x43: {  	_ =	shalt  }
0x44: {  	_ =	shalt  }
0x45: {  	_ =	shalt  }
0x46: {  	_ =	shalt  }
0x47: {  	_ =	shalt  }
0x48: {  	_ =	shalt  }
0x49: {  	_ =	shalt  }
0x4a: {  	_ =	shalt  }
0x4b: {  	_ =	shalt  }
0x4c: {  	_ =	shalt  }
0x4d: {  	_ =	shalt  }
0x4e: {  	_ =	shalt  }
0x4f: {  	_ =	shalt  }
0x50: {  	_ =	shalt  }
0x51: {  	_ =	shalt  }
0x52: {  	_ =	shalt  }
0x53: {  	_ =	shalt  }
0x54: {  	_ =	shalt  }
0x55: {  	_ =	shalt  }
0x56: {  	_ =	shalt  }
0x57: {  	_ =	shalt  }
0x58: {  	_ =	shalt  }
0x59: {  	_ =	shalt  }
0x5a: {  	_ =	shalt  }
0x5b: {  	_ =	shalt  }
0x5c: {  	_ =	shalt  }
0x5d: {  	_ =	shalt  }
0x5e: {  	_ =	shalt  }
0x5f: {  	_ =	shalt  }
0x60: {  	_ =	shalt  }
0x61: {  	_ =	shalt  }
0x62: {  	_ =	shalt  }
0x63: {  	_ =	shalt  }
0x64: {  	_ =	shalt  }
0x65: {  	_ =	shalt  }
0x66: {  	_ =	shalt  }
0x67: {  	_ =	shalt  }
0x68: {  	_ =	shalt  }
0x69: {  	_ =	shalt  }
0x6a: {  	_ =	shalt  }
0x6b: {  	_ =	shalt  }
0x6c: {  	_ =	shalt  }
0x6d: {  	_ =	shalt  }
0x6e: {  	_ =	shalt  }
0x6f: {  	_ =	shalt  }
0x70: {  	_ =	shalt  }
0x71: {  	_ =	shalt  }
0x72: {  	_ =	shalt  }
0x73: {  	_ =	shalt  }
0x74: {  	_ =	shalt  }
0x75: {  	_ =	shalt  }
0x76: {  	_ =	shalt  }
0x77: {  	_ =	shalt  }
0x78: {  	_ =	shalt  }
0x79: {  	_ =	shalt  }
0x7a: {  	_ =	shalt  }
0x7b: {  	_ =	shalt  }
0x7c: {  	_ =	shalt  }
0x7d: {  	_ =	shalt  }
0x7e: {  	_ =	shalt  }
0x7f: {  	_ =	shalt  }
0x80: {  	_ =	shalt  }
0x81: {  	_ =	shalt  }
0x82: {  	_ =	shalt  }
0x83: {  	_ =	shalt  }
0x84: {  	_ =	shalt  }
0x85: {  	_ =	shalt  }
0x86: {  	_ =	shalt  }
0x87: {  	_ =	shalt  }
.Lfunc_end0:
.L_simem_size_0:
called_computation.1_lowered:
.L_overlay_start_0:
0x88: {  	s2 =	sld [smem:$0x3FD9]  }
0x89: {  	s3 =	sld [smem:$0x3FFE];
	_ =	sdelay $0x1  }
0x8a: {  	s1 =	srdreg.scid  }
0x8b: {  	s0 =	sand.u32 $0x1, s1  }
0x8c: {  	s17 =	sshll.u32 s0, $0xA;
	s2 =	sadd.s32 s3, s2  }
0x8d: {  	s2 =	sadd.s32 s2, s17  }
0x8e: {  	[smem:$0x3FC2] =	sst s2  }
0x8f: {  	_ = 	snop  }
0x90: {  	s2 =	sld [smem:$0x3FD0];
	(tm) =	ssettm $0x1  }
0x91: {  	s18 =	sld [smem:$0x3FFB];
	_ =	sdelay $0x3  }
0x92: {  	_ =	strace s18  }
0x93: {  	s3 =	sld [smem:$0x3FFC];
	_ =	sdelay $0x3  }
0x94: {  	_ =	strace s3  }
0x95: {  	s3 =	sld [smem:$0x3FFD];
	_ =	sdelay $0x3  }
0x96: {  	_ =	strace s3  }
0x97: {  	_ =	strace $0x8FFFFFFF  }
0x98: {  	s19 =	sld [smem:$0x3FDB];
	_ =	sdelay $0x1  }
0x99: {  	s4 =	simm.s32 $_scs_section_size  }
0x9a: {  	s5 =	simm.s32 $_size__tile_overlayer_lowered;
	s6 =	simm.s32 $_tile_overlayer_lowered  }
0x9b: {  	s22 =	simm.s32 $0x1BFF;
	s21 =	sshll.u32 s6, $0x1;
	s3 =	sadd.s32 s4, s19  }
0x9c: {  	s7 =	simm.s32 $0x0;
	s20 =	sshll.u32 s5, $0x1;
	s5 =	sadd.s32 s21, s3  }
0x9d: {  	[timem:s7], [sflag:s22] =	dma.local [hbm:s5], s20  }
0x9e: {  	_ =	swait.ge [sflag:s22], s20  }
0x9f: {  	s4 =	ssub.s32 $0x0, s20;
	[sflag:s22] =	ssyncset.done $0x0  }
0xa0: {  	[sflag:s22] =	ssyncadd.s32 s4;
	_ =	sdelay $0x1  }
0xa1: {  	s23 =	simm.s32 $0x1B8B  }
0xa2: {  	_ =	swait.ge [sflag:s23], $0x1  }
0xa3: {  	[sflag:s23] =	ssyncset.done $0x0  }
0xa4: {  	s25 =	simm.s32 $0x1B8E;
	s24 =	sld [smem:$0x3FFE];
	[sflag:s23] =	ssyncadd.s32 $0xFFFFFFFF  }
0xa5: {  	s26 =	simm.s32 $execute0_lowered;
	[smem:$0x3FD2] =	sst s25  }
0xa6: {  	s5 =	sshll.u32 s26, $0x1;
	_ =	strace $0x80000049;
	[dreg:$0x1] =	wrdreg $0xFFFFFFFF  }
0xa7: {  	s28 =	simm.s32 $_size_execute0_lowered;
	s3 =	sadd.s32 s3, s5;
	[dreg:$0x0] =	wrdreg $0x0  }
0xa8: {  	s5 =	sshll.u32 s28, $0x1;
	[dreg:$0x2] =	wrdreg s3  }
0xa9: {  	[dreg:$0x3] =	wrdreg s5  }
0xaa: {  	[dreg:$0x4] =	wrdreg $0xC0  }
0xab: {  	_ =	task [dreg:s7], $0x5FFFF  }
0xac: {  	[dreg:$0x1] =	wrdreg $0xFFFFFFFF  }
0xad: {  	[dreg:$0x0] =	wrdreg $0x60  }
0xae: {  	[dreg:$0x2] =	wrdreg s24  }
0xaf: {  	[dreg:$0x3] =	wrdreg s2  }
0xb0: {  	[dreg:$0x4] =	wrdreg $0xBC000  }
0xb1: {  	[dreg:$0x5] =	wrdreg $0x9  }
0xb2: {  	_ =	task.clear_ibuf [dreg:s7], $0x6FFFF;
	_ =	strace $0x90000049  }
0xb3: {  	s29 =	simm.s32 $0x9;
	_ =	strace $0x8000004B  }
0xb4: {  	_ =	swait.ge [sflag:s29], $0x1  }
0xb5: {  	[sflag:s29] =	ssyncadd.s32 $0xFFFFFFFF  }
0xb6: {  	_ =	strace $0x9000004B  }
0xb7: {  	_ =	sfence  }
0xb8: {  	s30 =	sld [smem:$0x0];
	_ =	sdelay $0x2  }
0xb9: {  	s31 =	sshll.u32 s1, $0xD;
	s1 =	sshrl.u32 s1, $0x2  }
0xba: {  	s3 =	sand.u32 $0x4000, s31;
	s1 =	sadd.s32 s1, s30  }
0xbb: {  	s0 =	sor.u32 s3, s0;
	s1 =	sshll.u32 s1, $0x11  }
0xbc: {  	s0 =	sor.u32 s1, s0  }
0xbd: {  	s0 =	sadd.s32 $0x8F2B, s0  }
0xbe: {  	[sflag:s0] =	ssyncadd.remote.s32 $0x1  }
0xbf: {  	_ =	sfence.sel $0xFFFF  }
0xc0: {  	[dreg:$0x0] =	wrdreg $0xFFFFFFFF;
	(pc) =	sbr.abs _section_cstart, $3  }
0xc1: {  	[dreg:$0x1] =	wrdreg $0xFFFFFFFF  }
0xc2: {  	_ =	task.clear_ibuf [dreg:s7], $0x2FFFF;
	_ =	strace $0x9FFFFFFF  }
0xc3: {  	(tm) =	ssettm $0x7FFFFFFF  }
tec
execute0_lowered:
.L_overlay_start_1:
0x0: {  	(tag) =	ssettag $0x1  }
0x1: {  	s0 =	rddreg [dreg:$0x0]  }
0x2: {  	s3 =	rddreg [dreg:$0x1]  }
0x3: {  	s1 =	rddreg [dreg:$0x2];
	s2 =	simm.s32 $0x0  }
0x4: {  	s6 =	srdreg.scid;
	s18 =	stileid.u32;
	s28 =	simm.s32 $0x6000  }
0x5: {  	s29 =	simm.s32 $0x1;
	s30 =	simm.s32 $0x2;
	s31 =	simm.s32 $0x0  }
0x6: {  	[smem:$0x7FF] =	sst s2;
	s4 =	sadd.s32 $0x3F800, s0;
	s5 =	sadd.s32 $0x67800, s0  }
0x7: {  	s8 =	sadd.s32 $0xD600, s0;
	s6 =	sand.u32 $0x1, s6;
	s9 =	smul.u32 $0x50000, s18  }
0x8: {  	s7 =	sadd.s32 $0x8F800, s0;
	s0 =	sadd.s32 $0xB7800, s0;
	s12 =	smul.u32 $0x5080, s18  }
0x9: {  	s17 =	smul.u32 $0xA10, s18;
	_ =	strace $0x8000004A;
	[dreg:$0x4] =	wrdreg s7  }
0xa: {  	s26 =	sshll.u32 s18, $0x6;
	s10 =	ssub.s32 $0x2, s6;
	[dreg:$0x5] =	wrdreg s0  }
0xb: {  	s7 =	smul.u32 $0x2800, s18;
	p0 =	seq.s32 s6, $0x1;
	[dreg:$0x8] =	wrdreg s26  }
0xc: {  	s20 =	sshrl.u32 s10, $0x1;
	s21 =	sshrl.u32 s9, $0x2;
	s23 =	sshrl.u32 s12, $0x3  }
0xd: {  	s24 =	sadd.s32 $0x4FC8, s12;
	s16 =	sadd.s32 s17, s8;
	s17 =	sadd.s32 s17, s3  }
0xe: {  	s0 =	ssub.s32 s10, s20;
	s6 =	sadd.s32 s21, s1;
	s22 =	sadd.s32 s4, s7  }
0xf: {  	s10 =	sadd.s32 s3, s23;
	s11 =	sadd.s32 s8, s23;
	s25 =	sadd.s32 s5, s7  }
.Ltmp0:
0x10: {  	s9 =	sshrl.u32 s24, $0x3;
	s21 =	simm.s32 $0x3;
	(pc) =	sbr.rel .LBB2_1-.Ltmp0, $4  }
0x11: {  	s23 =	simm.s32 $0xB8;
	s24 =	simm.s32 $0x400;
	[dreg:$0x6] =	wrdreg s22  }
0x12: {  	[dreg:$0x7] =	wrdreg s25;
	s13 =	smax.u32 s0, $0x1;
	s14 =	sadd.s32 s8, s9  }
0x13: {  	s15 =	sadd.s32 s3, s9;
	s0 =	sor.u32 $0x1C03, s26;
	s20 =	sshrl.u32 s6, $0x3  }
0x14: {  	s22 =	simm.s32 $0x200;
	s25 =	simm.s32 $0x100;
	s26 =	simm.s32 $0x300  }
.LBB2_7:
0x15: {  	s6 =	sadd.s32 $0x9F9, s8;
	[sflag:s21] =	ssyncadd.s32 $0xFFFFA400  }
0x16: {  	[tilespmem:s25], [sflag:$0x3] =	stream.linear.gather [hbm4b:s6+s2], $0xB8, $0x38;
	[tilespmem:$0x1FC00] =	vst v63  }
0x17: {  	_ =	swait.ge [sflag:s21], $0xB8  }
0x18: {  	s3 =	sadd.s32 s3, s16;
	[sflag:s21] =	ssyncset.done $0x0  }
0x19: {  	s18 =	sadd.s32 $0x9F9, s3;
	[sflag:s21] =	ssyncadd.s32 $0xFFFFFF48  }
0x1a: {  	[tilespmem:s26], [sflag:$0x3] =	stream.linear.gather [hbm4b:s18+s2], $0xB8, $0x38;
	[tilespmem:$0x1FC00] =	vst v63  }
0x1b: {  	_ =	swait.ge [sflag:s21], $0xB8  }
0x1c: {  	[sflag:s21] =	ssyncset.done $0x0  }
0x1d: {  	[sflag:s21] =	ssyncadd.s32 $0xFFFFFF48  }
0x1e: {  	[tilespmem:s28], [sflag:$0x2] =	stream.indirect.gather [hbm4b:s5+s23], $0x80, s25, s23, $0xb8;
	[tilespmem:$0x1FC00] =	vst v63  }
0x1f: {  	_ =	swait.ge [sflag:s29], $0x5C00  }
0x20: {  	[sflag:s29] =	ssyncset.done $0x0  }
0x21: {  	[sflag:s29] =	ssyncadd.s32 $0xFFFFA400  }
0x22: {  	[spmem:s1] =	stream.indirect.scatter.add.f32 [tilespmem:s24], [sflag:$0x3], $0x80, s22, s23, $0xb8;
	[tilespmem:$0x1FC00] =	vst v63  }
0x23: {  	_ =	swait.ge [sflag:s21], $0x5C00  }
0x24: {  	[sflag:s21] =	ssyncset.done $0x0  }
0x25: {  	s19 =	sadd.s32 $0xA10, s8;
	[sflag:s21] =	ssyncadd.s32 $0xFFFFA400  }
0x26: {  	[tilespmem:s2], [sflag:$0x3] =	stream.linear.gather [hbm4b:s19+s2], $0xB8, $0x38;
	[tilespmem:$0x1FC00] =	vst v63  }
0x27: {  	_ =	swait.ge [sflag:s21], $0xB8  }
0x28: {  	[sflag:s21] =	ssyncset.done $0x0  }
0x29: {  	s3 =	sadd.s32 $0xA10, s3;
	[sflag:s21] =	ssyncadd.s32 $0xFFFFFF48  }
0x2a: {  	[tilespmem:s22], [sflag:$0x3] =	stream.linear.gather [hbm4b:s3+s2], $0xB8, $0x38;
	[tilespmem:$0x1FC00] =	vst v63  }
0x2b: {  	_ =	swait.ge [sflag:s21], $0xB8  }
0x2c: {  	[sflag:s21] =	ssyncset.done $0x0  }
0x2d: {  	[sflag:s21] =	ssyncadd.s32 $0xFFFFFF48  }
0x2e: {  	[tilespmem:s24], [sflag:$0x1] =	stream.indirect.gather [hbm4b:s5+s23], $0x80, s2, s23, $0xb8;
	[tilespmem:$0x1FC00] =	vst v63  }
0x2f: {  	_ =	swait.ge [sflag:s30], $0x5C00  }
0x30: {  	[sflag:s30] =	ssyncset.done $0x0  }
0x31: {  	[sflag:s30] =	ssyncadd.s32 $0xFFFFA400  }
0x32: {  	[spmem:s1] =	stream.indirect.scatter.add.f32 [tilespmem:s28], [sflag:$0x3], $0x80, s26, s23, $0xb8;
	[tilespmem:$0x1FC00] =	vst v63  }
0x33: {  	_ =	swait.ge [sflag:s21], $0x5C00  }
0x34: {  	s6 =	smov.u32 s5;
	[sflag:s21] =	ssyncset.done $0x0  }
0x35: {  	s19 =	smov.u32 s0;
	s3 =	rddreg [dreg:$0x5];
	[sflag:s21] =	ssyncadd.s32 $0xFFFFA400  }
.LBB2_8:
0x36: {  	[tilespmem:s25], [sflag:$0x3] =	stream.linear.gather [hbm4b:s15+s2], $0xB8, $0x38;
	[tilespmem:$0x1FC00] =	vst v63  }
0x37: {  	_ =	swait.ge [sflag:s21], $0xB8  }
0x38: {  	[sflag:s21] =	ssyncset.done $0x0  }
0x39: {  	[sflag:s21] =	ssyncadd.s32 $0xFFFFFF48  }
0x3a: {  	[tilespmem:s26], [sflag:$0x3] =	stream.linear.gather [hbm4b:s14+s2], $0xB8, $0x38;
	[tilespmem:$0x1FC00] =	vst v63  }
0x3b: {  	_ =	swait.ge [sflag:s21], $0xB8  }
0x3c: {  	[sflag:s21] =	ssyncset.done $0x0  }
0x3d: {  	[sflag:s21] =	ssyncadd.s32 $0xFFFFFF48  }
0x3e: {  	[tilespmem:s28], [sflag:$0x2] =	stream.indirect.gather [hbm4b:s6+s23], $0x80, s25, s23, $0xb8;
	[tilespmem:$0x1FC00] =	vst v63  }
0x3f: {  	_ =	swait.ge [sflag:s29], $0x5C00  }
0x40: {  	[sflag:s29] =	ssyncset.done $0x0  }
0x41: {  	[sflag:s29] =	ssyncadd.s32 $0xFFFFA400  }
0x42: {  	[spmem:s1] =	stream.indirect.scatter.add.f32 [tilespmem:s24], [sflag:$0x3], $0x80, s22, s23, $0xb8;
	[tilespmem:$0x1FC00] =	vst v63  }
0x43: {  	_ =	swait.ge [sflag:s21], $0x5C00  }
0x44: {  	[sflag:s21] =	ssyncset.done $0x0  }
0x45: {  	[sflag:s21] =	ssyncadd.s32 $0xFFFFA400  }
0x46: {  	_ =	swait.ge [sflag:s30], $0x5C00  }
0x47: {  	[sflag:s30] =	ssyncset.done $0x0  }
0x48: {  	[sflag:s30] =	ssyncadd.s32 $0xFFFFA400  }
0x49: {  	[spmem:s1] =	stream.indirect.scatter.add.f32 [tilespmem:s28], [sflag:$0x3], $0x80, s26, s23, $0xb8;
	[tilespmem:$0x1FC00] =	vst v63  }
0x4a: {  	_ =	swait.ge [sflag:s21], $0x5C00  }
0x4b: {  	s31 =	sadd.s32 $0x1, s31;
	[sflag:s21] =	ssyncset.done $0x0  }
0x4c: {  	p1 =	sne.s32 s31, s13;
	[sflag:s21] =	ssyncadd.s32 $0xFFFFA400  }
.Ltmp1:
0x4d: {  	s3 =	sadd.s32 s3, s7;
	[bflag:$0x0] =	sbarrier.arrive $0xFFFF;
	(pc) =	sbr.rel @!p1 .LBB2_9-.Ltmp1, $4  }
0x4e: {  	[hbm:s3], [sflag:s19] =	dma.local [spmem:s20], $0x2800  }
0x4f: {  	_ =	swait.ge [sflag:s21], $0x2800  }
0x50: {  	[sflag:s21] =	ssyncset.done $0x0  }
0x51: {  	[sflag:s21] =	ssyncadd.s32 $0xFFFFD800  }
.LBB2_1:
.Ltmp2:
0x52: {  	(pc) =	sbr.rel @!p0 .LBB2_2-.Ltmp2, $1  }
0x53: {  	_ =	sdelay $0x3  }
0x54: {  	s3 =	rddreg [dreg:$0x7]  }
0x55: {  	[spmem:s20], [sflag:s0] =	dma.local [hbm:s3], $0x2800  }
0x56: {  	_ =	swait.ge [sflag:s21], $0x2800  }
0x57: {  	[sflag:s21] =	ssyncset.done $0x0  }
0x58: {  	[sflag:s21] =	ssyncadd.s32 $0xFFFFD800  }
0x59: {  	[bflag:$0x0] =	sbarrier.arrive $0xFFFF  }
0x5a: {  	[tilespmem:s2], [sflag:$0x3] =	stream.linear.gather [hbm4b:s10+s2], $0xB8, $0x38;
	[tilespmem:$0x1FC00] =	vst v63  }
0x5b: {  	_ =	swait.ge [sflag:s21], $0xB8  }
0x5c: {  	[sflag:s21] =	ssyncset.done $0x0  }
0x5d: {  	[sflag:s21] =	ssyncadd.s32 $0xFFFFFF48  }
0x5e: {  	[tilespmem:s22], [sflag:$0x3] =	stream.linear.gather [hbm4b:s11+s2], $0xB8, $0x38;
	[tilespmem:$0x1FC00] =	vst v63  }
0x5f: {  	_ =	swait.ge [sflag:s21], $0xB8  }
0x60: {  	[sflag:s21] =	ssyncset.done $0x0  }
0x61: {  	s12 =	sadd.s32 $0xFFFFF61E, s17;
	[sflag:s21] =	ssyncadd.s32 $0xFFFFFF48  }
0x62: {  	[tilespmem:s24], [sflag:$0x1] =	stream.indirect.gather [hbm4b:s5+s23], $0x80, s2, s23, $0xb8;
	[tilespmem:$0x1FC00] =	vst v63  }
0x63: {  	s6 =	sadd.s32 $0x9F9, s12  }
0x64: {  	[tilespmem:s25], [sflag:$0x3] =	stream.linear.gather [hbm4b:s6+s2], $0xB8, $0x38;
	[tilespmem:$0x1FC00] =	vst v63  }
0x65: {  	_ =	swait.ge [sflag:s21], $0xB8  }
0x66: {  	s18 =	sadd.s32 $0xFFFFF61E, s16;
	[sflag:s21] =	ssyncset.done $0x0  }
0x67: {  	s8 =	sadd.s32 $0x9F9, s18;
	[sflag:s21] =	ssyncadd.s32 $0xFFFFFF48  }
0x68: {  	[tilespmem:s26], [sflag:$0x3] =	stream.linear.gather [hbm4b:s8+s2], $0xB8, $0x38;
	[tilespmem:$0x1FC00] =	vst v63  }
0x69: {  	_ =	swait.ge [sflag:s21], $0xB8  }
0x6a: {  	[sflag:s21] =	ssyncset.done $0x0  }
0x6b: {  	[sflag:s21] =	ssyncadd.s32 $0xFFFFFF48  }
0x6c: {  	[tilespmem:s28], [sflag:$0x2] =	stream.indirect.gather [hbm4b:s5+s23], $0x80, s25, s23, $0xb8;
	[tilespmem:$0x1FC00] =	vst v63  }
0x6d: {  	_ =	swait.ge [sflag:s29], $0x5C00  }
0x6e: {  	[sflag:s29] =	ssyncset.done $0x0  }
0x6f: {  	[sflag:s29] =	ssyncadd.s32 $0xFFFFA400  }
0x70: {  	[spmem:s1] =	stream.indirect.scatter.add.f32 [tilespmem:s24], [sflag:$0x3], $0x80, s22, s23, $0xb8;
	[tilespmem:$0x1FC00] =	vst v63  }
0x71: {  	_ =	swait.ge [sflag:s21], $0x5C00  }
0x72: {  	[sflag:s21] =	ssyncset.done $0x0  }
0x73: {  	s3 =	sadd.s32 $0xA10, s12;
	[sflag:s21] =	ssyncadd.s32 $0xFFFFA400  }
0x74: {  	[tilespmem:s2], [sflag:$0x3] =	stream.linear.gather [hbm4b:s3+s2], $0xB8, $0x38;
	[tilespmem:$0x1FC00] =	vst v63  }
0x75: {  	_ =	swait.ge [sflag:s21], $0xB8  }
0x76: {  	[sflag:s21] =	ssyncset.done $0x0  }
0x77: {  	s19 =	sadd.s32 $0xA10, s18;
	[sflag:s21] =	ssyncadd.s32 $0xFFFFFF48  }
0x78: {  	[tilespmem:s22], [sflag:$0x3] =	stream.linear.gather [hbm4b:s19+s2], $0xB8, $0x38;
	[tilespmem:$0x1FC00] =	vst v63  }
0x79: {  	_ =	swait.ge [sflag:s21], $0xB8  }
0x7a: {  	[sflag:s21] =	ssyncset.done $0x0  }
0x7b: {  	[sflag:s21] =	ssyncadd.s32 $0xFFFFFF48  }
0x7c: {  	[tilespmem:s24], [sflag:$0x1] =	stream.indirect.gather [hbm4b:s5+s23], $0x80, s2, s23, $0xb8;
	[tilespmem:$0x1FC00] =	vst v63  }
0x7d: {  	_ =	swait.ge [sflag:s30], $0x5C00  }
0x7e: {  	[sflag:s30] =	ssyncset.done $0x0  }
0x7f: {  	[sflag:s30] =	ssyncadd.s32 $0xFFFFA400  }
0x80: {  	[spmem:s1] =	stream.indirect.scatter.add.f32 [tilespmem:s28], [sflag:$0x3], $0x80, s26, s23, $0xb8;
	[tilespmem:$0x1FC00] =	vst v63  }
0x81: {  	s9 =	simm.s32 $0xFFFFF67A;
	_ =	swait.ge [sflag:s21], $0x5C00  }
0x82: {  	s8 =	sadd.s32 $0xFFFFF64C, s17;
	s3 =	simm.s32 $0xFFFFF64C;
	[sflag:s21] =	ssyncset.done $0x0  }
.LBB2_6:
0x83: {  	s12 =	sadd.s32 $0x9F9, s8  }
0x84: {  	[sflag:s21] =	ssyncadd.s32 $0xFFFFA400;
	s18 =	smov.u32 s9;
	s6 =	sadd.s32 $0x2E, s9  }
0x85: {  	[tilespmem:s25], [sflag:$0x3] =	stream.linear.gather [hbm4b:s12+s2], $0xB8, $0x38;
	[tilespmem:$0x1FC00] =	vst v63  }
0x86: {  	p1 =	sne.s32 s9, $0xFFFFFFD2;
	_ =	swait.ge [sflag:s21], $0xB8  }
0x87: {  	s9 =	sadd.s32 s3, s16;
	s3 =	smov.u32 s18;
	[sflag:s21] =	ssyncset.done $0x0  }
0x88: {  	s12 =	sadd.s32 $0x9F9, s9;
	[sflag:s21] =	ssyncadd.s32 $0xFFFFFF48  }
0x89: {  	[tilespmem:s26], [sflag:$0x3] =	stream.linear.gather [hbm4b:s12+s2], $0xB8, $0x38;
	[tilespmem:$0x1FC00] =	vst v63  }
0x8a: {  	_ =	swait.ge [sflag:s21], $0xB8  }
0x8b: {  	[sflag:s21] =	ssyncset.done $0x0  }
0x8c: {  	[sflag:s21] =	ssyncadd.s32 $0xFFFFFF48  }
0x8d: {  	[tilespmem:s28], [sflag:$0x2] =	stream.indirect.gather [hbm4b:s5+s23], $0x80, s25, s23, $0xb8;
	[tilespmem:$0x1FC00] =	vst v63  }
0x8e: {  	_ =	swait.ge [sflag:s29], $0x5C00  }
0x8f: {  	[sflag:s29] =	ssyncset.done $0x0  }
0x90: {  	[sflag:s29] =	ssyncadd.s32 $0xFFFFA400  }
0x91: {  	[spmem:s1] =	stream.indirect.scatter.add.f32 [tilespmem:s24], [sflag:$0x3], $0x80, s22, s23, $0xb8;
	[tilespmem:$0x1FC00] =	vst v63  }
0x92: {  	_ =	swait.ge [sflag:s21], $0x5C00  }
0x93: {  	[sflag:s21] =	ssyncset.done $0x0  }
0x94: {  	s8 =	sadd.s32 $0xA10, s8;
	[sflag:s21] =	ssyncadd.s32 $0xFFFFA400  }
0x95: {  	[tilespmem:s2], [sflag:$0x3] =	stream.linear.gather [hbm4b:s8+s2], $0xB8, $0x38;
	[tilespmem:$0x1FC00] =	vst v63  }
0x96: {  	_ =	swait.ge [sflag:s21], $0xB8  }
0x97: {  	[sflag:s21] =	ssyncset.done $0x0  }
0x98: {  	s8 =	sadd.s32 $0xA10, s9;
	[sflag:s21] =	ssyncadd.s32 $0xFFFFFF48  }
0x99: {  	[tilespmem:s22], [sflag:$0x3] =	stream.linear.gather [hbm4b:s8+s2], $0xB8, $0x38;
	[tilespmem:$0x1FC00] =	vst v63  }
0x9a: {  	_ =	swait.ge [sflag:s21], $0xB8  }
0x9b: {  	[sflag:s21] =	ssyncset.done $0x0  }
0x9c: {  	[sflag:s21] =	ssyncadd.s32 $0xFFFFFF48  }
0x9d: {  	[tilespmem:s24], [sflag:$0x1] =	stream.indirect.gather [hbm4b:s5+s23], $0x80, s2, s23, $0xb8;
	[tilespmem:$0x1FC00] =	vst v63  }
0x9e: {  	_ =	swait.ge [sflag:s30], $0x5C00  }
.Ltmp3:
0x9f: {  	[sflag:s30] =	ssyncset.done $0x0;
	(pc) =	sbr.rel @p1 .LBB2_6-.Ltmp3, $4  }
0xa0: {  	[sflag:s30] =	ssyncadd.s32 $0xFFFFA400  }
0xa1: {  	[spmem:s1] =	stream.indirect.scatter.add.f32 [tilespmem:s28], [sflag:$0x3], $0x80, s26, s23, $0xb8;
	[tilespmem:$0x1FC00] =	vst v63  }
0xa2: {  	_ =	swait.ge [sflag:s21], $0x5C00  }
0xa3: {  	s9 =	smov.u32 s6;
	s8 =	sadd.s32 s3, s17;
	[sflag:s21] =	ssyncset.done $0x0  }
.Ltmp4:
0xa4: {  	_ = 	snop;
	(pc) =	sbr.rel .LBB2_7-.Ltmp4, $1  }
0xa5: {  	_ =	sdelay $0x3  }
.LBB2_2:
0xa6: {  	s3 =	rddreg [dreg:$0x8]  }
0xa7: {  	s8 =	rddreg [dreg:$0x6];
	s19 =	sor.u32 $0x1C03, s3  }
0xa8: {  	[spmem:s20], [sflag:s19] =	dma.local [hbm:s8], $0x2800  }
0xa9: {  	_ =	swait.ge [sflag:s21], $0x2800  }
0xaa: {  	[sflag:s21] =	ssyncset.done $0x0  }
0xab: {  	[sflag:s21] =	ssyncadd.s32 $0xFFFFD800  }
0xac: {  	[bflag:$0x0] =	sbarrier.arrive $0xFFFF  }
0xad: {  	[tilespmem:s2], [sflag:$0x3] =	stream.linear.gather [hbm4b:s10+s2], $0xB8, $0x38;
	[tilespmem:$0x1FC00] =	vst v63  }
0xae: {  	_ =	swait.ge [sflag:s21], $0xB8  }
0xaf: {  	[sflag:s21] =	ssyncset.done $0x0  }
0xb0: {  	[sflag:s21] =	ssyncadd.s32 $0xFFFFFF48  }
0xb1: {  	[tilespmem:s22], [sflag:$0x3] =	stream.linear.gather [hbm4b:s11+s2], $0xB8, $0x38;
	[tilespmem:$0x1FC00] =	vst v63  }
0xb2: {  	_ =	swait.ge [sflag:s21], $0xB8  }
0xb3: {  	[sflag:s21] =	ssyncset.done $0x0  }
0xb4: {  	s9 =	sadd.s32 $0xFFFFF61E, s17;
	[sflag:s21] =	ssyncadd.s32 $0xFFFFFF48  }
0xb5: {  	[tilespmem:s24], [sflag:$0x1] =	stream.indirect.gather [hbm4b:s4+s23], $0x80, s2, s23, $0xb8;
	[tilespmem:$0x1FC00] =	vst v63  }
0xb6: {  	s6 =	sadd.s32 $0x9F9, s9  }
0xb7: {  	[tilespmem:s25], [sflag:$0x3] =	stream.linear.gather [hbm4b:s6+s2], $0xB8, $0x38;
	[tilespmem:$0x1FC00] =	vst v63  }
0xb8: {  	_ =	swait.ge [sflag:s21], $0xB8  }
0xb9: {  	s12 =	sadd.s32 $0xFFFFF61E, s16;
	[sflag:s21] =	ssyncset.done $0x0  }
0xba: {  	s8 =	sadd.s32 $0x9F9, s12;
	[sflag:s21] =	ssyncadd.s32 $0xFFFFFF48  }
0xbb: {  	[tilespmem:s26], [sflag:$0x3] =	stream.linear.gather [hbm4b:s8+s2], $0xB8, $0x38;
	[tilespmem:$0x1FC00] =	vst v63  }
0xbc: {  	_ =	swait.ge [sflag:s21], $0xB8  }
0xbd: {  	[sflag:s21] =	ssyncset.done $0x0  }
0xbe: {  	[sflag:s21] =	ssyncadd.s32 $0xFFFFFF48  }
0xbf: {  	[tilespmem:s28], [sflag:$0x2] =	stream.indirect.gather [hbm4b:s4+s23], $0x80, s25, s23, $0xb8;
	[tilespmem:$0x1FC00] =	vst v63  }
0xc0: {  	_ =	swait.ge [sflag:s29], $0x5C00  }
0xc1: {  	[sflag:s29] =	ssyncset.done $0x0  }
0xc2: {  	[sflag:s29] =	ssyncadd.s32 $0xFFFFA400  }
0xc3: {  	[spmem:s1] =	stream.indirect.scatter.add.f32 [tilespmem:s24], [sflag:$0x3], $0x80, s22, s23, $0xb8;
	[tilespmem:$0x1FC00] =	vst v63  }
0xc4: {  	_ =	swait.ge [sflag:s21], $0x5C00  }
0xc5: {  	[sflag:s21] =	ssyncset.done $0x0  }
0xc6: {  	s3 =	sadd.s32 $0xA10, s9;
	[sflag:s21] =	ssyncadd.s32 $0xFFFFA400  }
0xc7: {  	[tilespmem:s2], [sflag:$0x3] =	stream.linear.gather [hbm4b:s3+s2], $0xB8, $0x38;
	[tilespmem:$0x1FC00] =	vst v63  }
0xc8: {  	_ =	swait.ge [sflag:s21], $0xB8  }
0xc9: {  	[sflag:s21] =	ssyncset.done $0x0  }
0xca: {  	s18 =	sadd.s32 $0xA10, s12;
	[sflag:s21] =	ssyncadd.s32 $0xFFFFFF48  }
0xcb: {  	[tilespmem:s22], [sflag:$0x3] =	stream.linear.gather [hbm4b:s18+s2], $0xB8, $0x38;
	[tilespmem:$0x1FC00] =	vst v63  }
0xcc: {  	_ =	swait.ge [sflag:s21], $0xB8  }
0xcd: {  	[sflag:s21] =	ssyncset.done $0x0  }
0xce: {  	[sflag:s21] =	ssyncadd.s32 $0xFFFFFF48  }
0xcf: {  	[tilespmem:s24], [sflag:$0x1] =	stream.indirect.gather [hbm4b:s4+s23], $0x80, s2, s23, $0xb8;
	[tilespmem:$0x1FC00] =	vst v63  }
0xd0: {  	_ =	swait.ge [sflag:s30], $0x5C00  }
0xd1: {  	[sflag:s30] =	ssyncset.done $0x0  }
0xd2: {  	[sflag:s30] =	ssyncadd.s32 $0xFFFFA400  }
0xd3: {  	[spmem:s1] =	stream.indirect.scatter.add.f32 [tilespmem:s28], [sflag:$0x3], $0x80, s26, s23, $0xb8;
	[tilespmem:$0x1FC00] =	vst v63  }
0xd4: {  	s6 =	simm.s32 $0xFFFFF67A;
	_ =	swait.ge [sflag:s21], $0x5C00  }
0xd5: {  	s8 =	sadd.s32 $0xFFFFF64C, s17;
	s3 =	simm.s32 $0xFFFFF64C;
	[sflag:s21] =	ssyncset.done $0x0  }
.LBB2_3:
0xd6: {  	s12 =	sadd.s32 $0x9F9, s8  }
0xd7: {  	[sflag:s21] =	ssyncadd.s32 $0xFFFFA400;
	s18 =	smov.u32 s6;
	s9 =	sadd.s32 $0x2E, s6  }
0xd8: {  	[tilespmem:s25], [sflag:$0x3] =	stream.linear.gather [hbm4b:s12+s2], $0xB8, $0x38;
	[tilespmem:$0x1FC00] =	vst v63  }
0xd9: {  	p1 =	seq.s32 s6, $0xFFFFFFD2;
	_ =	swait.ge [sflag:s21], $0xB8  }
0xda: {  	s6 =	sadd.s32 s3, s16;
	s3 =	smov.u32 s18;
	[sflag:s21] =	ssyncset.done $0x0  }
0xdb: {  	s12 =	sadd.s32 $0x9F9, s6;
	[sflag:s21] =	ssyncadd.s32 $0xFFFFFF48  }
0xdc: {  	[tilespmem:s26], [sflag:$0x3] =	stream.linear.gather [hbm4b:s12+s2], $0xB8, $0x38;
	[tilespmem:$0x1FC00] =	vst v63  }
0xdd: {  	_ =	swait.ge [sflag:s21], $0xB8  }
0xde: {  	[sflag:s21] =	ssyncset.done $0x0  }
0xdf: {  	[sflag:s21] =	ssyncadd.s32 $0xFFFFFF48  }
0xe0: {  	[tilespmem:s28], [sflag:$0x2] =	stream.indirect.gather [hbm4b:s4+s23], $0x80, s25, s23, $0xb8;
	[tilespmem:$0x1FC00] =	vst v63  }
0xe1: {  	_ =	swait.ge [sflag:s29], $0x5C00  }
0xe2: {  	[sflag:s29] =	ssyncset.done $0x0  }
0xe3: {  	[sflag:s29] =	ssyncadd.s32 $0xFFFFA400  }
0xe4: {  	[spmem:s1] =	stream.indirect.scatter.add.f32 [tilespmem:s24], [sflag:$0x3], $0x80, s22, s23, $0xb8;
	[tilespmem:$0x1FC00] =	vst v63  }
0xe5: {  	_ =	swait.ge [sflag:s21], $0x5C00  }
0xe6: {  	[sflag:s21] =	ssyncset.done $0x0  }
0xe7: {  	s8 =	sadd.s32 $0xA10, s8;
	[sflag:s21] =	ssyncadd.s32 $0xFFFFA400  }
0xe8: {  	[tilespmem:s2], [sflag:$0x3] =	stream.linear.gather [hbm4b:s8+s2], $0xB8, $0x38;
	[tilespmem:$0x1FC00] =	vst v63  }
0xe9: {  	_ =	swait.ge [sflag:s21], $0xB8  }
0xea: {  	[sflag:s21] =	ssyncset.done $0x0  }
0xeb: {  	s6 =	sadd.s32 $0xA10, s6;
	[sflag:s21] =	ssyncadd.s32 $0xFFFFFF48  }
0xec: {  	[tilespmem:s22], [sflag:$0x3] =	stream.linear.gather [hbm4b:s6+s2], $0xB8, $0x38;
	[tilespmem:$0x1FC00] =	vst v63  }
0xed: {  	_ =	swait.ge [sflag:s21], $0xB8  }
0xee: {  	[sflag:s21] =	ssyncset.done $0x0  }
0xef: {  	[sflag:s21] =	ssyncadd.s32 $0xFFFFFF48  }
0xf0: {  	[tilespmem:s24], [sflag:$0x1] =	stream.indirect.gather [hbm4b:s4+s23], $0x80, s2, s23, $0xb8;
	[tilespmem:$0x1FC00] =	vst v63  }
0xf1: {  	_ =	swait.ge [sflag:s30], $0x5C00  }
.Ltmp5:
0xf2: {  	[sflag:s30] =	ssyncset.done $0x0;
	(pc) =	sbr.rel @!p1 .LBB2_3-.Ltmp5, $4  }
0xf3: {  	[sflag:s30] =	ssyncadd.s32 $0xFFFFA400  }
0xf4: {  	[spmem:s1] =	stream.indirect.scatter.add.f32 [tilespmem:s28], [sflag:$0x3], $0x80, s26, s23, $0xb8;
	[tilespmem:$0x1FC00] =	vst v63  }
0xf5: {  	_ =	swait.ge [sflag:s21], $0x5C00  }
0xf6: {  	s8 =	sadd.s32 s3, s17;
	s6 =	smov.u32 s9;
	[sflag:s21] =	ssyncset.done $0x0  }
0xf7: {  	s6 =	sadd.s32 $0x9F9, s8;
	[sflag:s21] =	ssyncadd.s32 $0xFFFFA400  }
0xf8: {  	[tilespmem:s25], [sflag:$0x3] =	stream.linear.gather [hbm4b:s6+s2], $0xB8, $0x38;
	[tilespmem:$0x1FC00] =	vst v63  }
0xf9: {  	_ =	swait.ge [sflag:s21], $0xB8  }
0xfa: {  	s3 =	sadd.s32 s3, s16;
	[sflag:s21] =	ssyncset.done $0x0  }
0xfb: {  	s12 =	sadd.s32 $0x9F9, s3;
	[sflag:s21] =	ssyncadd.s32 $0xFFFFFF48  }
0xfc: {  	[tilespmem:s26], [sflag:$0x3] =	stream.linear.gather [hbm4b:s12+s2], $0xB8, $0x38;
	[tilespmem:$0x1FC00] =	vst v63  }
0xfd: {  	_ =	swait.ge [sflag:s21], $0xB8  }
0xfe: {  	[sflag:s21] =	ssyncset.done $0x0  }
0xff: {  	[sflag:s21] =	ssyncadd.s32 $0xFFFFFF48  }
0x100: {  	[tilespmem:s28], [sflag:$0x2] =	stream.indirect.gather [hbm4b:s4+s23], $0x80, s25, s23, $0xb8;
	[tilespmem:$0x1FC00] =	vst v63  }
0x101: {  	_ =	swait.ge [sflag:s29], $0x5C00  }
0x102: {  	[sflag:s29] =	ssyncset.done $0x0  }
0x103: {  	[sflag:s29] =	ssyncadd.s32 $0xFFFFA400  }
0x104: {  	[spmem:s1] =	stream.indirect.scatter.add.f32 [tilespmem:s24], [sflag:$0x3], $0x80, s22, s23, $0xb8;
	[tilespmem:$0x1FC00] =	vst v63  }
0x105: {  	_ =	swait.ge [sflag:s21], $0x5C00  }
0x106: {  	[sflag:s21] =	ssyncset.done $0x0  }
0x107: {  	s18 =	sadd.s32 $0xA10, s8;
	[sflag:s21] =	ssyncadd.s32 $0xFFFFA400  }
0x108: {  	[tilespmem:s2], [sflag:$0x3] =	stream.linear.gather [hbm4b:s18+s2], $0xB8, $0x38;
	[tilespmem:$0x1FC00] =	vst v63  }
0x109: {  	_ =	swait.ge [sflag:s21], $0xB8  }
0x10a: {  	[sflag:s21] =	ssyncset.done $0x0  }
0x10b: {  	s3 =	sadd.s32 $0xA10, s3;
	[sflag:s21] =	ssyncadd.s32 $0xFFFFFF48  }
0x10c: {  	[tilespmem:s22], [sflag:$0x3] =	stream.linear.gather [hbm4b:s3+s2], $0xB8, $0x38;
	[tilespmem:$0x1FC00] =	vst v63  }
0x10d: {  	_ =	swait.ge [sflag:s21], $0xB8  }
0x10e: {  	[sflag:s21] =	ssyncset.done $0x0  }
0x10f: {  	[sflag:s21] =	ssyncadd.s32 $0xFFFFFF48  }
0x110: {  	[tilespmem:s24], [sflag:$0x1] =	stream.indirect.gather [hbm4b:s4+s23], $0x80, s2, s23, $0xb8;
	[tilespmem:$0x1FC00] =	vst v63  }
0x111: {  	_ =	swait.ge [sflag:s30], $0x5C00  }
0x112: {  	[sflag:s30] =	ssyncset.done $0x0  }
.Ltmp6:
0x113: {  	[sflag:s30] =	ssyncadd.s32 $0xFFFFA400;
	(pc) =	sbr.rel .LBB2_8-.Ltmp6, $4  }
0x114: {  	[spmem:s1] =	stream.indirect.scatter.add.f32 [tilespmem:s28], [sflag:$0x3], $0x80, s26, s23, $0xb8;
	[tilespmem:$0x1FC00] =	vst v63  }
0x115: {  	_ =	swait.ge [sflag:s21], $0x5C00  }
0x116: {  	[sflag:s21] =	ssyncset.done $0x0  }
0x117: {  	s6 =	smov.u32 s4;
	s3 =	rddreg [dreg:$0x4];
	[sflag:s21] =	ssyncadd.s32 $0xFFFFA400  }
.LBB2_9:
0x118: {  	_ =	sfence.sel $0x180000  }
0x119: {  	[bflag:$0x0] =	sbarrier.arrive $0xFFFF  }
0x11a: {  	_ =	strace $0x9000004A  }
0x11b: {  	s0 =	stileid.u32;
	[bflag:$0x2] =	sbarrier.arrive $0xFFFF  }
0x11c: {  	p0 =	sne.s32 s0, $0x0;
	s0 =	rddreg [dreg:$0x3]  }
0x11d: {  	s0 =	sadd.s32 @!p0 $0x100000, s0  }
0x11e: {  	[sflag:s0] =	ssyncadd.tile.s32 @!p0 $0x1;
	_ =	shalt  }
.Lfunc_end2:
_tile_overlayer_lowered:
.L_overlay_start_2:
0x11f: {  	(tag) =	ssettag $0x2  }
0x120: {  	s0 =	rddreg [dreg:$0x0];
	s2 =	stileid.u32  }
0x121: {  	s1 =	rddreg [dreg:$0x1];
	p0 =	sne.s32 s2, $0x0  }
0x122: {  	s3 =	rddreg [dreg:$0x2];
	[bflag:$0x3] =	sbarrier.arrive $0xFFFF;
	s2 =	simm.s32 @!p0 $0x1C03  }
0x123: {  	[timem:s3], [sflag:s2] =	dma.local @!p0 [hbm:s0], s1  }
0x124: {  	s0 =	simm.s32 @!p0 $0x3  }
0x125: {  	_ =	swait.ge @!p0 [sflag:s0], s1  }
0x126: {  	s1 =	ssub.s32 @!p0 $0x0, s1;
	[sflag:s0] =	ssyncset.done @!p0 $0x0  }
0x127: {  	[sflag:s0] =	ssyncadd.s32 @!p0 s1  }
0x128: {  	[bflag:$0x3] =	sbarrier.arrive $0xFFFF  }
0x129: {  	_ =	shalt  }

// kernel: kernel.15.cloned.1.call-start
scs
__scs_entry_jumppad:
0x0: {  	(pc) =	sbr.rel $0x88, $3  }
0x1: {  	(tag) =	ssettag $0x0;
	lr =	simm.s32 $0x1  }
0x2: {  	[smem:$0x3F9B] =	sst lr;
	_ =	strace $0xD0000000  }
0x3: {  	_ = 	snop  }
0x4: {  	_ = 	snop  }
0x5: {  	_ = 	snop  }
0x6: {  	_ = 	snop  }
0x7: {  	_ = 	snop  }
__scs_overlays_trampoline_lowered:
0x8: {  	[smem:$0x3FAA] =	sst s0  }
0x9: {  	[smem:$0x3FAB] =	sst s1  }
0xa: {  	[smem:$0x3FAC] =	sst s2  }
0xb: {  	[smem:$0x3FAD] =	sst s3  }
0xc: {  	[smem:$0x3FAE] =	sst s4  }
0xd: {  	[smem:$0x3FAF] =	sst s5  }
0xe: {  	[smem:$0x3FB0] =	sst s6  }
0xf: {  	[smem:$0x3FB1] =	sst s7  }
0x10: {  	[smem:$0x3FB2] =	sst s8  }
0x11: {  	[smem:$0x3FB3] =	sst s9;
	s0 =	simm.s32 @!p0 $0x0  }
0x12: {  	s1 =	sld [smem:$0x3F99];
	s0 =	simm.s32 @p0 $0x1  }
0x13: {  	[smem:$0x3FB4] =	sst s0;
	s0 =	simm.s32 @!p1 $0x0  }
0x14: {  	s2 =	sld [smem:$0x3F98];
	s0 =	simm.s32 @p1 $0x1  }
0x15: {  	[smem:$0x3FB5] =	sst s0;
	s0 =	simm.s32 @!p2 $0x0  }
0x16: {  	s3 =	sld [smem:$0x3FDB];
	s0 =	simm.s32 @p2 $0x1  }
0x17: {  	s4 =	simm.s32 $0x1BF5;
	[smem:$0x3FB7] =	sst s0  }
0x18: {  	s0 =	sld [smem:$0x3F9A];
	_ =	swait.ge [sflag:s4], $0x0  }
0x19: {  	s7 =	sld [smem:$0x3F9B]  }
0x1a: {  	s8 =	sadd.s32 $0xFFFFE003, lr  }
0x1b: {  	s9 =	sadd.s32 $0xFFFFFEF7, lr;
	s5 =	simm.s32 $0xFFFFFFFF;
	p2 =	slt.u32 s8, $0xFFFFF086  }
0x1c: {  	p1 =	slt.u32 s9, $0xF7A;
	s5 =	simm.s32 @!p2 $0x0  }
0x1d: {  	s5 =	simm.s32 @p1 $0x1;
	p0 =	seq.s32 s7, s2  }
0x1e: {  	s7 =	smul.u32 @!p0 $0xF7A, s2;
	p2 =	seq.s32 @!p0 s5, $0x0  }
0x1f: {  	s9 =	smul.u32 $0xF7A, s1;
	s8 =	simm.s32 @!p0 $0x1BF5;
	p2 =	por !p2, p0  }
0x20: {  	[sflag:s8] =	ssyncset.s32 @!p0 $0xFFFFF086;
	s6 =	sadd.s32 @!p0 s3, s7;
	s7 =	simm.s32 @!p0 $0x108  }
0x21: {  	s3 =	sadd.s32 s3, s9;
	s6 =	sadd.s32 @!p0 $0x88, s6;
	s7 =	simm.s32 @p2 $0x1082  }
0x22: {  	[simem:s7], [sflag:s8] =	dma.local @!p0 [hbm:s6], $0xF7A  }
0x23: {  	s9 =	sor.u32 $0xD0000000, s2;
	s6 =	simm.s32 $0x108;
	_ =	swait.ge @!p0 [sflag:s8], $0x0  }
0x24: {  	s3 =	sadd.s32 $0x88, s3;
	s6 =	simm.s32 @!p1 $0x1082;
	[sflag:s4] =	ssyncset.s32 $0xFFFFF086  }
0x25: {  	[simem:s6], [sflag:s4] =	dma.local [hbm:s3], $0xF7A  }
0x26: {  	[smem:$0x3F9B] =	sst s1;
	(tag) =	ssettag s2;
	_ =	strace s9  }
0x27: {  	s1 =	sld [smem:$0x3FAB]  }
0x28: {  	s2 =	sld [smem:$0x3FAC]  }
0x29: {  	s4 =	sld [smem:$0x3FAE]  }
0x2a: {  	p0 =	seq.s32 s5, $0x0;
	s5 =	sld [smem:$0x3FAF]  }
0x2b: {  	s6 =	sld [smem:$0x3FB0]  }
0x2c: {  	s7 =	sld [smem:$0x3FB1]  }
0x2d: {  	s3 =	simm.s32 $0x108;
	s8 =	sld [smem:$0x3FB2]  }
0x2e: {  	s3 =	simm.s32 @!p0 $0x1082;
	s9 =	sld [smem:$0x3FB3]  }
0x2f: {  	lr =	sadd.s32 s0, s3;
	s0 =	sld [smem:$0x3FAA]  }
0x30: {  	s3 =	sld [smem:$0x3FAD]  }
0x31: {  	[smem:$0x3FB6] =	sst s10  }
0x32: {  	s10 =	sld [smem:$0x3FB4];
	_ =	sdelay $0x3  }
0x33: {  	p0 =	seq.s32 s10, $0x1;
	s10 =	sld [smem:$0x3FB6];
	_ =	sdelay $0x3  }
0x34: {  	[smem:$0x3FB6] =	sst s10  }
0x35: {  	s10 =	sld [smem:$0x3FB5];
	_ =	sdelay $0x3  }
0x36: {  	p1 =	seq.s32 s10, $0x1;
	s10 =	sld [smem:$0x3FB6];
	_ =	sdelay $0x3  }
0x37: {  	[smem:$0x3FB6] =	sst s10  }
0x38: {  	s10 =	sld [smem:$0x3FB7]  }
0x39: {  	_ = 	snop;
	(pc) =	sbr.ind lr, $3  }
0x3a: {  	_ = 	snop  }
0x3b: {  	_ = 	snop  }
0x3c: {  	p2 =	seq.s32 s10, $0x1;
	s10 =	sld [smem:$0x3FB6]  }
0x3d: {  	_ =	shalt  }
0x3e: {  	_ =	shalt  }
0x3f: {  	_ =	shalt  }
0x40: {  	_ =	shalt  }
0x41: {  	_ =	shalt  }
0x42: {  	_ =	shalt  }
0x43: {  	_ =	shalt  }
0x44: {  	_ =	shalt  }
0x45: {  	_ =	shalt  }
0x46: {  	_ =	shalt  }
0x47: {  	_ =	shalt  }
0x48: {  	_ =	shalt  }
0x49: {  	_ =	shalt  }
0x4a: {  	_ =	shalt  }
0x4b: {  	_ =	shalt  }
0x4c: {  	_ =	shalt  }
0x4d: {  	_ =	shalt  }
0x4e: {  	_ =	shalt  }
0x4f: {  	_ =	shalt  }
0x50: {  	_ =	shalt  }
0x51: {  	_ =	shalt  }
0x52: {  	_ =	shalt  }
0x53: {  	_ =	shalt  }
0x54: {  	_ =	shalt  }
0x55: {  	_ =	shalt  }
0x56: {  	_ =	shalt  }
0x57: {  	_ =	shalt  }
0x58: {  	_ =	shalt  }
0x59: {  	_ =	shalt  }
0x5a: {  	_ =	shalt  }
0x5b: {  	_ =	shalt  }
0x5c: {  	_ =	shalt  }
0x5d: {  	_ =	shalt  }
0x5e: {  	_ =	shalt  }
0x5f: {  	_ =	shalt  }
0x60: {  	_ =	shalt  }
0x61: {  	_ =	shalt  }
0x62: {  	_ =	shalt  }
0x63: {  	_ =	shalt  }
0x64: {  	_ =	shalt  }
0x65: {  	_ =	shalt  }
0x66: {  	_ =	shalt  }
0x67: {  	_ =	shalt  }
0x68: {  	_ =	shalt  }
0x69: {  	_ =	shalt  }
0x6a: {  	_ =	shalt  }
0x6b: {  	_ =	shalt  }
0x6c: {  	_ =	shalt  }
0x6d: {  	_ =	shalt  }
0x6e: {  	_ =	shalt  }
0x6f: {  	_ =	shalt  }
0x70: {  	_ =	shalt  }
0x71: {  	_ =	shalt  }
0x72: {  	_ =	shalt  }
0x73: {  	_ =	shalt  }
0x74: {  	_ =	shalt  }
0x75: {  	_ =	shalt  }
0x76: {  	_ =	shalt  }
0x77: {  	_ =	shalt  }
0x78: {  	_ =	shalt  }
0x79: {  	_ =	shalt  }
0x7a: {  	_ =	shalt  }
0x7b: {  	_ =	shalt  }
0x7c: {  	_ =	shalt  }
0x7d: {  	_ =	shalt  }
0x7e: {  	_ =	shalt  }
0x7f: {  	_ =	shalt  }
0x80: {  	_ =	shalt  }
0x81: {  	_ =	shalt  }
0x82: {  	_ =	shalt  }
0x83: {  	_ =	shalt  }
0x84: {  	_ =	shalt  }
0x85: {  	_ =	shalt  }
0x86: {  	_ =	shalt  }
0x87: {  	_ =	shalt  }
.Lfunc_end0:
.L_simem_size_0:
called_computation.2_lowered:
.L_overlay_start_0:
0x88: {  	s2 =	sld [smem:$0x3FD9]  }
0x89: {  	s3 =	sld [smem:$0x3FFE];
	_ =	sdelay $0x1  }
0x8a: {  	s1 =	srdreg.scid  }
0x8b: {  	s0 =	sand.u32 $0x1, s1  }
0x8c: {  	s17 =	sshll.u32 s0, $0xA;
	s2 =	sadd.s32 s3, s2  }
0x8d: {  	s2 =	sadd.s32 s2, s17  }
0x8e: {  	[smem:$0x3FC2] =	sst s2  }
0x8f: {  	_ = 	snop  }
0x90: {  	s2 =	sld [smem:$0x3FD0];
	(tm) =	ssettm $0x1  }
0x91: {  	s18 =	sld [smem:$0x3FFB];
	_ =	sdelay $0x3  }
0x92: {  	_ =	strace s18  }
0x93: {  	s3 =	sld [smem:$0x3FFC];
	_ =	sdelay $0x3  }
0x94: {  	_ =	strace s3  }
0x95: {  	s3 =	sld [smem:$0x3FFD];
	_ =	sdelay $0x3  }
0x96: {  	_ =	strace s3  }
0x97: {  	_ =	strace $0x8FFFFFFF  }
0x98: {  	s19 =	sld [smem:$0x3FDB];
	_ =	sdelay $0x1  }
0x99: {  	s4 =	simm.s32 $_scs_section_size  }
0x9a: {  	s5 =	simm.s32 $_size__tile_overlayer_lowered;
	s6 =	simm.s32 $_tile_overlayer_lowered  }
0x9b: {  	s22 =	simm.s32 $0x1BFF;
	s21 =	sshll.u32 s6, $0x1;
	s3 =	sadd.s32 s4, s19  }
0x9c: {  	s7 =	simm.s32 $0x0;
	s20 =	sshll.u32 s5, $0x1;
	s5 =	sadd.s32 s21, s3  }
0x9d: {  	[timem:s7], [sflag:s22] =	dma.local [hbm:s5], s20  }
0x9e: {  	_ =	swait.ge [sflag:s22], s20  }
0x9f: {  	s4 =	ssub.s32 $0x0, s20;
	[sflag:s22] =	ssyncset.done $0x0  }
0xa0: {  	[sflag:s22] =	ssyncadd.s32 s4;
	_ =	sdelay $0x1  }
0xa1: {  	s23 =	simm.s32 $0x1B8B  }
0xa2: {  	_ =	swait.ge [sflag:s23], $0x1  }
0xa3: {  	[sflag:s23] =	ssyncset.done $0x0  }
0xa4: {  	s25 =	simm.s32 $0x1B8E;
	s24 =	sld [smem:$0x3FFE];
	[sflag:s23] =	ssyncadd.s32 $0xFFFFFFFF  }
0xa5: {  	s26 =	simm.s32 $execute0_lowered;
	[smem:$0x3FD2] =	sst s25  }
0xa6: {  	s5 =	sshll.u32 s26, $0x1;
	_ =	strace $0x8000004C;
	[dreg:$0x1] =	wrdreg $0xFFFFFFFF  }
0xa7: {  	s28 =	simm.s32 $_size_execute0_lowered;
	s3 =	sadd.s32 s3, s5;
	[dreg:$0x0] =	wrdreg $0x0  }
0xa8: {  	s5 =	sshll.u32 s28, $0x1;
	[dreg:$0x2] =	wrdreg s3  }
0xa9: {  	[dreg:$0x3] =	wrdreg s5  }
0xaa: {  	[dreg:$0x4] =	wrdreg $0xC0  }
0xab: {  	_ =	task [dreg:s7], $0x5FFFF  }
0xac: {  	[dreg:$0x1] =	wrdreg $0xFFFFFFFF  }
0xad: {  	[dreg:$0x0] =	wrdreg $0x60  }
0xae: {  	[dreg:$0x2] =	wrdreg s24  }
0xaf: {  	[dreg:$0x3] =	wrdreg s2  }
0xb0: {  	[dreg:$0x4] =	wrdreg $0xBC000  }
0xb1: {  	[dreg:$0x5] =	wrdreg $0x9  }
0xb2: {  	_ =	task.clear_ibuf [dreg:s7], $0x6FFFF;
	_ =	strace $0x9000004C  }
0xb3: {  	s29 =	simm.s32 $0x9;
	_ =	strace $0x8000004E  }
0xb4: {  	_ =	swait.ge [sflag:s29], $0x1  }
0xb5: {  	[sflag:s29] =	ssyncadd.s32 $0xFFFFFFFF  }
0xb6: {  	_ =	strace $0x9000004E  }
0xb7: {  	_ =	sfence  }
0xb8: {  	s30 =	sld [smem:$0x0];
	_ =	sdelay $0x2  }
0xb9: {  	s31 =	sshll.u32 s1, $0xD;
	s1 =	sshrl.u32 s1, $0x2  }
0xba: {  	s3 =	sand.u32 $0x4000, s31;
	s1 =	sadd.s32 s1, s30  }
0xbb: {  	s0 =	sor.u32 s3, s0;
	s1 =	sshll.u32 s1, $0x11  }
0xbc: {  	s0 =	sor.u32 s1, s0  }
0xbd: {  	s0 =	sadd.s32 $0x8F2B, s0  }
0xbe: {  	[sflag:s0] =	ssyncadd.remote.s32 $0x1  }
0xbf: {  	_ =	sfence.sel $0xFFFF  }
0xc0: {  	[dreg:$0x0] =	wrdreg $0xFFFFFFFF;
	(pc) =	sbr.abs _section_cstart, $3  }
0xc1: {  	[dreg:$0x1] =	wrdreg $0xFFFFFFFF  }
0xc2: {  	_ =	task.clear_ibuf [dreg:s7], $0x2FFFF;
	_ =	strace $0x9FFFFFFF  }
0xc3: {  	(tm) =	ssettm $0x7FFFFFFF  }
tec
execute0_lowered:
.L_overlay_start_1:
0x0: {  	(tag) =	ssettag $0x1  }
0x1: {  	s0 =	rddreg [dreg:$0x0]  }
0x2: {  	s2 =	rddreg [dreg:$0x1]  }
0x3: {  	s3 =	rddreg [dreg:$0x2];
	s1 =	srdreg.scid  }
0x4: {  	s13 =	stileid.u32;
	s4 =	simm.s32 $0x0;
	s16 =	simm.s32 $0x8F800  }
0x5: {  	s19 =	simm.s32 $0x3;
	s20 =	simm.s32 $0x200;
	s21 =	simm.s32 $0xB8  }
0x6: {  	s22 =	simm.s32 $0x400;
	s28 =	simm.s32 $0x2;
	s29 =	simm.s32 $0x0  }
0x7: {  	s1 =	sand.u32 $0x1, s1;
	s7 =	smul.u32 $0x50000, s13;
	[smem:$0x7FF] =	sst s4  }
0x8: {  	s11 =	smul.u32 $0x2840, s13;
	s5 =	sadd.s32 $0x3F800, s0;
	s6 =	sadd.s32 $0xD600, s0  }
0x9: {  	s14 =	smul.u32 $0x2800, s13;
	s23 =	sshll.u32 s13, $0x6;
	s8 =	ssub.s32 $0x2, s1  }
0xa: {  	s9 =	smul.u32 $0x28400, s1;
	_ =	strace $0x8000004D;
	p0 =	seq.s32 s1, $0x1  }
0xb: {  	s10 =	sshrl.u32 s8, $0x1;
	s7 =	sshrl.u32 s7, $0x2;
	s25 =	sadd.s32 s5, s14  }
0xc: {  	s16 =	simm.s32 @!p0 $0x67800;
	s12 =	ssub.s32 s8, s10;
	s15 =	sadd.s32 s11, s9  }
0xd: {  	s18 =	sadd.s32 s7, s3;
	[dreg:$0x4] =	wrdreg s25;
	s8 =	sor.u32 $0x1C03, s23  }
0xe: {  	s0 =	sadd.s32 s16, s0;
	s23 =	simm.s32 $0x100;
	s25 =	simm.s32 $0x6000  }
0xf: {  	s24 =	sshrl.u32 s15, $0x3;
	s30 =	sadd.s32 $0x2788, s15;
	s11 =	smax.u32 s12, $0x1  }
0x10: {  	s17 =	sadd.s32 $0xB8, s15;
	s14 =	sadd.s32 s0, s14;
	s15 =	sadd.s32 $0x170, s15  }
0x11: {  	s18 =	sshrl.u32 s18, $0x3;
	s26 =	sadd.s32 s2, s24;
	s10 =	sadd.s32 s6, s24  }
0x12: {  	s1 =	sshrl.u32 s30, $0x3;
	s31 =	sshrl.u32 s17, $0x3;
	s24 =	simm.s32 $0x300  }
0x13: {  	[dreg:$0x5] =	wrdreg s26;
	s12 =	sadd.s32 s2, s1;
	s13 =	sadd.s32 s6, s1  }
0x14: {  	s16 =	sadd.s32 s31, s6;
	s17 =	sadd.s32 s31, s2;
	s26 =	simm.s32 $0x1  }
.LBB2_1:
0x15: {  	s0 =	rddreg [dreg:$0x4]  }
0x16: {  	[spmem:s18], [sflag:s8] =	dma.local [hbm:s0], $0x2800  }
0x17: {  	_ =	swait.ge [sflag:s19], $0x2800  }
0x18: {  	[sflag:s19] =	ssyncset.done $0x0  }
0x19: {  	[sflag:s19] =	ssyncadd.s32 $0xFFFFD800  }
0x1a: {  	[bflag:$0x0] =	sbarrier.arrive $0xFFFF  }
0x1b: {  	s9 =	rddreg [dreg:$0x5]  }
0x1c: {  	[tilespmem:s4], [sflag:$0x3] =	stream.linear.gather [hbm4b:s9+s4], $0xB8, $0x38;
	[tilespmem:$0x1FC00] =	vst v63  }
0x1d: {  	_ =	swait.ge [sflag:s19], $0xB8  }
0x1e: {  	[sflag:s19] =	ssyncset.done $0x0  }
0x1f: {  	[sflag:s19] =	ssyncadd.s32 $0xFFFFFF48  }
0x20: {  	[tilespmem:s20], [sflag:$0x3] =	stream.linear.gather [hbm4b:s10+s4], $0xB8, $0x38;
	[tilespmem:$0x1FC00] =	vst v63  }
0x21: {  	_ =	swait.ge [sflag:s19], $0xB8  }
0x22: {  	[sflag:s19] =	ssyncset.done $0x0  }
0x23: {  	[sflag:s19] =	ssyncadd.s32 $0xFFFFFF48  }
0x24: {  	[tilespmem:s22], [sflag:$0x1] =	stream.indirect.gather [hbm4b:s5+s21], $0x80, s4, s21, $0xb8;
	[tilespmem:$0x1FC00] =	vst v63  }
0x25: {  	s1 =	sadd.s32 $0x0, s17  }
0x26: {  	[tilespmem:s23], [sflag:$0x3] =	stream.linear.gather [hbm4b:s1+s4], $0xB8, $0x38;
	[tilespmem:$0x1FC00] =	vst v63  }
0x27: {  	_ =	swait.ge [sflag:s19], $0xB8  }
0x28: {  	[sflag:s19] =	ssyncset.done $0x0  }
0x29: {  	s7 =	sadd.s32 $0x0, s16;
	[sflag:s19] =	ssyncadd.s32 $0xFFFFFF48  }
0x2a: {  	[tilespmem:s24], [sflag:$0x3] =	stream.linear.gather [hbm4b:s7+s4], $0xB8, $0x38;
	[tilespmem:$0x1FC00] =	vst v63  }
0x2b: {  	_ =	swait.ge [sflag:s19], $0xB8  }
0x2c: {  	[sflag:s19] =	ssyncset.done $0x0  }
0x2d: {  	[sflag:s19] =	ssyncadd.s32 $0xFFFFFF48  }
0x2e: {  	[tilespmem:s25], [sflag:$0x2] =	stream.indirect.gather [hbm4b:s5+s21], $0x80, s23, s21, $0xb8;
	[tilespmem:$0x1FC00] =	vst v63  }
0x2f: {  	_ =	swait.ge [sflag:s26], $0x5C00  }
0x30: {  	[sflag:s26] =	ssyncset.done $0x0  }
0x31: {  	[sflag:s26] =	ssyncadd.s32 $0xFFFFA400  }
0x32: {  	[spmem:s3] =	stream.indirect.scatter.add.f32 [tilespmem:s22], [sflag:$0x3], $0x80, s20, s21, $0xb8;
	[tilespmem:$0x1FC00] =	vst v63  }
0x33: {  	_ =	swait.ge [sflag:s19], $0x5C00  }
0x34: {  	s9 =	sshrl.u32 s15, $0x3;
	[sflag:s19] =	ssyncset.done $0x0  }
0x35: {  	s1 =	sadd.s32 s2, s9;
	[sflag:s19] =	ssyncadd.s32 $0xFFFFA400  }
0x36: {  	[tilespmem:s4], [sflag:$0x3] =	stream.linear.gather [hbm4b:s1+s4], $0xB8, $0x38;
	[tilespmem:$0x1FC00] =	vst v63  }
0x37: {  	_ =	swait.ge [sflag:s19], $0xB8  }
0x38: {  	[sflag:s19] =	ssyncset.done $0x0  }
0x39: {  	s0 =	sadd.s32 s6, s9;
	[sflag:s19] =	ssyncadd.s32 $0xFFFFFF48  }
0x3a: {  	[tilespmem:s20], [sflag:$0x3] =	stream.linear.gather [hbm4b:s0+s4], $0xB8, $0x38;
	[tilespmem:$0x1FC00] =	vst v63  }
0x3b: {  	_ =	swait.ge [sflag:s19], $0xB8  }
0x3c: {  	[sflag:s19] =	ssyncset.done $0x0  }
0x3d: {  	[sflag:s19] =	ssyncadd.s32 $0xFFFFFF48  }
0x3e: {  	[tilespmem:s22], [sflag:$0x1] =	stream.indirect.gather [hbm4b:s5+s21], $0x80, s4, s21, $0xb8;
	[tilespmem:$0x1FC00] =	vst v63  }
0x3f: {  	_ =	swait.ge [sflag:s28], $0x5C00  }
0x40: {  	[sflag:s28] =	ssyncset.done $0x0  }
0x41: {  	[sflag:s28] =	ssyncadd.s32 $0xFFFFA400  }
0x42: {  	[spmem:s3] =	stream.indirect.scatter.add.f32 [tilespmem:s25], [sflag:$0x3], $0x80, s24, s21, $0xb8;
	[tilespmem:$0x1FC00] =	vst v63  }
0x43: {  	s31 =	simm.s32 $0x2E;
	_ =	swait.ge [sflag:s19], $0x5C00  }
0x44: {  	s30 =	sadd.s32 $0x170, s15;
	s0 =	simm.s32 $0x5C;
	[sflag:s19] =	ssyncset.done $0x0  }
.LBB2_2:
0x45: {  	s7 =	sadd.s32 s31, s17  }
0x46: {  	[sflag:s19] =	ssyncadd.s32 $0xFFFFA400;
	s9 =	smov.u32 s0;
	s1 =	sadd.s32 $0x2E, s0  }
0x47: {  	[tilespmem:s23], [sflag:$0x3] =	stream.linear.gather [hbm4b:s7+s4], $0xB8, $0x38;
	[tilespmem:$0x1FC00] =	vst v63  }
0x48: {  	p0 =	sne.s32 s0, $0x4AC;
	_ =	swait.ge [sflag:s19], $0xB8  }
0x49: {  	[sflag:s19] =	ssyncset.done $0x0  }
0x4a: {  	s0 =	sadd.s32 s31, s16;
	s31 =	smov.u32 s9;
	[sflag:s19] =	ssyncadd.s32 $0xFFFFFF48  }
0x4b: {  	[tilespmem:s24], [sflag:$0x3] =	stream.linear.gather [hbm4b:s0+s4], $0xB8, $0x38;
	[tilespmem:$0x1FC00] =	vst v63  }
0x4c: {  	_ =	swait.ge [sflag:s19], $0xB8  }
0x4d: {  	[sflag:s19] =	ssyncset.done $0x0  }
0x4e: {  	[sflag:s19] =	ssyncadd.s32 $0xFFFFFF48  }
0x4f: {  	[tilespmem:s25], [sflag:$0x2] =	stream.indirect.gather [hbm4b:s5+s21], $0x80, s23, s21, $0xb8;
	[tilespmem:$0x1FC00] =	vst v63  }
0x50: {  	_ =	swait.ge [sflag:s26], $0x5C00  }
0x51: {  	[sflag:s26] =	ssyncset.done $0x0  }
0x52: {  	[sflag:s26] =	ssyncadd.s32 $0xFFFFA400  }
0x53: {  	[spmem:s3] =	stream.indirect.scatter.add.f32 [tilespmem:s22], [sflag:$0x3], $0x80, s20, s21, $0xb8;
	[tilespmem:$0x1FC00] =	vst v63  }
0x54: {  	_ =	swait.ge [sflag:s19], $0x5C00  }
0x55: {  	s0 =	sshrl.u32 s30, $0x3;
	[sflag:s19] =	ssyncset.done $0x0  }
0x56: {  	s7 =	sadd.s32 s2, s0;
	[sflag:s19] =	ssyncadd.s32 $0xFFFFA400  }
0x57: {  	[tilespmem:s4], [sflag:$0x3] =	stream.linear.gather [hbm4b:s7+s4], $0xB8, $0x38;
	[tilespmem:$0x1FC00] =	vst v63  }
0x58: {  	_ =	swait.ge [sflag:s19], $0xB8  }
0x59: {  	[sflag:s19] =	ssyncset.done $0x0  }
0x5a: {  	s0 =	sadd.s32 s6, s0;
	[sflag:s19] =	ssyncadd.s32 $0xFFFFFF48  }
0x5b: {  	[tilespmem:s20], [sflag:$0x3] =	stream.linear.gather [hbm4b:s0+s4], $0xB8, $0x38;
	[tilespmem:$0x1FC00] =	vst v63  }
0x5c: {  	_ =	swait.ge [sflag:s19], $0xB8  }
0x5d: {  	[sflag:s19] =	ssyncset.done $0x0  }
0x5e: {  	[sflag:s19] =	ssyncadd.s32 $0xFFFFFF48  }
0x5f: {  	[tilespmem:s22], [sflag:$0x1] =	stream.indirect.gather [hbm4b:s5+s21], $0x80, s4, s21, $0xb8;
	[tilespmem:$0x1FC00] =	vst v63  }
0x60: {  	_ =	swait.ge [sflag:s28], $0x5C00  }
.Ltmp0:
0x61: {  	[sflag:s28] =	ssyncset.done $0x0;
	(pc) =	sbr.rel @p0 .LBB2_2-.Ltmp0, $4  }
0x62: {  	[sflag:s28] =	ssyncadd.s32 $0xFFFFA400  }
0x63: {  	[spmem:s3] =	stream.indirect.scatter.add.f32 [tilespmem:s25], [sflag:$0x3], $0x80, s24, s21, $0xb8;
	[tilespmem:$0x1FC00] =	vst v63  }
0x64: {  	_ =	swait.ge [sflag:s19], $0x5C00  }
0x65: {  	s30 =	sadd.s32 $0x170, s30;
	s0 =	smov.u32 s1;
	[sflag:s19] =	ssyncset.done $0x0  }
0x66: {  	s0 =	sadd.s32 s31, s17;
	[sflag:s19] =	ssyncadd.s32 $0xFFFFA400  }
0x67: {  	[tilespmem:s23], [sflag:$0x3] =	stream.linear.gather [hbm4b:s0+s4], $0xB8, $0x38;
	[tilespmem:$0x1FC00] =	vst v63  }
0x68: {  	_ =	swait.ge [sflag:s19], $0xB8  }
0x69: {  	[sflag:s19] =	ssyncset.done $0x0  }
0x6a: {  	s9 =	sadd.s32 s31, s16;
	[sflag:s19] =	ssyncadd.s32 $0xFFFFFF48  }
0x6b: {  	[tilespmem:s24], [sflag:$0x3] =	stream.linear.gather [hbm4b:s9+s4], $0xB8, $0x38;
	[tilespmem:$0x1FC00] =	vst v63  }
0x6c: {  	_ =	swait.ge [sflag:s19], $0xB8  }
0x6d: {  	[sflag:s19] =	ssyncset.done $0x0  }
0x6e: {  	[sflag:s19] =	ssyncadd.s32 $0xFFFFFF48  }
0x6f: {  	[tilespmem:s25], [sflag:$0x2] =	stream.indirect.gather [hbm4b:s5+s21], $0x80, s23, s21, $0xb8;
	[tilespmem:$0x1FC00] =	vst v63  }
0x70: {  	_ =	swait.ge [sflag:s26], $0x5C00  }
0x71: {  	[sflag:s26] =	ssyncset.done $0x0  }
0x72: {  	[sflag:s26] =	ssyncadd.s32 $0xFFFFA400  }
0x73: {  	[spmem:s3] =	stream.indirect.scatter.add.f32 [tilespmem:s22], [sflag:$0x3], $0x80, s20, s21, $0xb8;
	[tilespmem:$0x1FC00] =	vst v63  }
0x74: {  	_ =	swait.ge [sflag:s19], $0x5C00  }
0x75: {  	s31 =	sshrl.u32 s30, $0x3;
	[sflag:s19] =	ssyncset.done $0x0  }
0x76: {  	s1 =	sadd.s32 s2, s31;
	[sflag:s19] =	ssyncadd.s32 $0xFFFFA400  }
0x77: {  	[tilespmem:s4], [sflag:$0x3] =	stream.linear.gather [hbm4b:s1+s4], $0xB8, $0x38;
	[tilespmem:$0x1FC00] =	vst v63  }
0x78: {  	_ =	swait.ge [sflag:s19], $0xB8  }
0x79: {  	[sflag:s19] =	ssyncset.done $0x0  }
0x7a: {  	s0 =	sadd.s32 s6, s31;
	[sflag:s19] =	ssyncadd.s32 $0xFFFFFF48  }
0x7b: {  	[tilespmem:s20], [sflag:$0x3] =	stream.linear.gather [hbm4b:s0+s4], $0xB8, $0x38;
	[tilespmem:$0x1FC00] =	vst v63  }
0x7c: {  	_ =	swait.ge [sflag:s19], $0xB8  }
0x7d: {  	[sflag:s19] =	ssyncset.done $0x0  }
0x7e: {  	[sflag:s19] =	ssyncadd.s32 $0xFFFFFF48  }
0x7f: {  	[tilespmem:s22], [sflag:$0x1] =	stream.indirect.gather [hbm4b:s5+s21], $0x80, s4, s21, $0xb8;
	[tilespmem:$0x1FC00] =	vst v63  }
0x80: {  	_ =	swait.ge [sflag:s28], $0x5C00  }
0x81: {  	[sflag:s28] =	ssyncset.done $0x0  }
0x82: {  	[sflag:s28] =	ssyncadd.s32 $0xFFFFA400  }
0x83: {  	[spmem:s3] =	stream.indirect.scatter.add.f32 [tilespmem:s25], [sflag:$0x3], $0x80, s24, s21, $0xb8;
	[tilespmem:$0x1FC00] =	vst v63  }
0x84: {  	_ =	swait.ge [sflag:s19], $0x5C00  }
0x85: {  	[sflag:s19] =	ssyncset.done $0x0  }
0x86: {  	[sflag:s19] =	ssyncadd.s32 $0xFFFFA400  }
0x87: {  	[tilespmem:s23], [sflag:$0x3] =	stream.linear.gather [hbm4b:s12+s4], $0xB8, $0x38;
	[tilespmem:$0x1FC00] =	vst v63  }
0x88: {  	_ =	swait.ge [sflag:s19], $0xB8  }
0x89: {  	[sflag:s19] =	ssyncset.done $0x0  }
0x8a: {  	[sflag:s19] =	ssyncadd.s32 $0xFFFFFF48  }
0x8b: {  	[tilespmem:s24], [sflag:$0x3] =	stream.linear.gather [hbm4b:s13+s4], $0xB8, $0x38;
	[tilespmem:$0x1FC00] =	vst v63  }
0x8c: {  	_ =	swait.ge [sflag:s19], $0xB8  }
0x8d: {  	[sflag:s19] =	ssyncset.done $0x0  }
0x8e: {  	[sflag:s19] =	ssyncadd.s32 $0xFFFFFF48  }
0x8f: {  	[tilespmem:s25], [sflag:$0x2] =	stream.indirect.gather [hbm4b:s5+s21], $0x80, s23, s21, $0xb8;
	[tilespmem:$0x1FC00] =	vst v63  }
0x90: {  	_ =	swait.ge [sflag:s26], $0x5C00  }
0x91: {  	[sflag:s26] =	ssyncset.done $0x0  }
0x92: {  	[sflag:s26] =	ssyncadd.s32 $0xFFFFA400  }
0x93: {  	[spmem:s3] =	stream.indirect.scatter.add.f32 [tilespmem:s22], [sflag:$0x3], $0x80, s20, s21, $0xb8;
	[tilespmem:$0x1FC00] =	vst v63  }
0x94: {  	_ =	swait.ge [sflag:s19], $0x5C00  }
0x95: {  	[sflag:s19] =	ssyncset.done $0x0  }
0x96: {  	[sflag:s19] =	ssyncadd.s32 $0xFFFFA400  }
0x97: {  	_ =	swait.ge [sflag:s28], $0x5C00  }
0x98: {  	[sflag:s28] =	ssyncset.done $0x0  }
0x99: {  	[sflag:s28] =	ssyncadd.s32 $0xFFFFA400  }
0x9a: {  	[spmem:s3] =	stream.indirect.scatter.add.f32 [tilespmem:s25], [sflag:$0x3], $0x80, s24, s21, $0xb8;
	[tilespmem:$0x1FC00] =	vst v63  }
0x9b: {  	_ =	swait.ge [sflag:s19], $0x5C00  }
0x9c: {  	s29 =	sadd.s32 $0x1, s29;
	[sflag:s19] =	ssyncset.done $0x0  }
0x9d: {  	p0 =	sne.s32 s29, s11;
	[sflag:s19] =	ssyncadd.s32 $0xFFFFA400  }
.Ltmp1:
0x9e: {  	[bflag:$0x0] =	sbarrier.arrive $0xFFFF;
	(pc) =	sbr.rel @p0 .LBB2_1-.Ltmp1, $4  }
0x9f: {  	[hbm:s14], [sflag:s8] =	dma.local [spmem:s18], $0x2800  }
0xa0: {  	_ =	swait.ge [sflag:s19], $0x2800  }
0xa1: {  	[sflag:s19] =	ssyncset.done $0x0  }
0xa2: {  	[sflag:s19] =	ssyncadd.s32 $0xFFFFD800  }
0xa3: {  	_ =	sfence.sel $0x180000  }
0xa4: {  	[bflag:$0x0] =	sbarrier.arrive $0xFFFF  }
0xa5: {  	_ =	strace $0x9000004D  }
0xa6: {  	s0 =	stileid.u32;
	[bflag:$0x2] =	sbarrier.arrive $0xFFFF  }
0xa7: {  	p0 =	sne.s32 s0, $0x0;
	s0 =	rddreg [dreg:$0x3]  }
0xa8: {  	s0 =	sadd.s32 @!p0 $0x100000, s0  }
0xa9: {  	[sflag:s0] =	ssyncadd.tile.s32 @!p0 $0x1;
	_ =	shalt  }
.Lfunc_end2:
_tile_overlayer_lowered:
.L_overlay_start_2:
0xaa: {  	(tag) =	ssettag $0x2  }
0xab: {  	s0 =	rddreg [dreg:$0x0];
	s2 =	stileid.u32  }
0xac: {  	s1 =	rddreg [dreg:$0x1];
	p0 =	sne.s32 s2, $0x0  }
0xad: {  	s3 =	rddreg [dreg:$0x2];
	[bflag:$0x3] =	sbarrier.arrive $0xFFFF;
	s2 =	simm.s32 @!p0 $0x1C03  }
0xae: {  	[timem:s3], [sflag:s2] =	dma.local @!p0 [hbm:s0], s1  }
0xaf: {  	s0 =	simm.s32 @!p0 $0x3  }
0xb0: {  	_ =	swait.ge @!p0 [sflag:s0], s1  }
0xb1: {  	s1 =	ssub.s32 @!p0 $0x0, s1;
	[sflag:s0] =	ssyncset.done @!p0 $0x0  }
0xb2: {  	[sflag:s0] =	ssyncadd.s32 @!p0 s1  }
0xb3: {  	[bflag:$0x3] =	sbarrier.arrive $0xFFFF  }
0xb4: {  	_ =	shalt  }

// kernel: kernel.9.cloned.1.call-start
scs
__scs_entry_jumppad:
0x0: {  	(pc) =	sbr.rel $0x88, $3  }
0x1: {  	(tag) =	ssettag $0x0;
	lr =	simm.s32 $0x1  }
0x2: {  	[smem:$0x3F9B] =	sst lr;
	_ =	strace $0xD0000000  }
0x3: {  	_ = 	snop  }
0x4: {  	_ = 	snop  }
0x5: {  	_ = 	snop  }
0x6: {  	_ = 	snop  }
0x7: {  	_ = 	snop  }
__scs_overlays_trampoline_lowered:
0x8: {  	[smem:$0x3FAA] =	sst s0  }
0x9: {  	[smem:$0x3FAB] =	sst s1  }
0xa: {  	[smem:$0x3FAC] =	sst s2  }
0xb: {  	[smem:$0x3FAD] =	sst s3  }
0xc: {  	[smem:$0x3FAE] =	sst s4  }
0xd: {  	[smem:$0x3FAF] =	sst s5  }
0xe: {  	[smem:$0x3FB0] =	sst s6  }
0xf: {  	[smem:$0x3FB1] =	sst s7  }
0x10: {  	[smem:$0x3FB2] =	sst s8  }
0x11: {  	[smem:$0x3FB3] =	sst s9;
	s0 =	simm.s32 @!p0 $0x0  }
0x12: {  	s1 =	sld [smem:$0x3F99];
	s0 =	simm.s32 @p0 $0x1  }
0x13: {  	[smem:$0x3FB4] =	sst s0;
	s0 =	simm.s32 @!p1 $0x0  }
0x14: {  	s2 =	sld [smem:$0x3F98];
	s0 =	simm.s32 @p1 $0x1  }
0x15: {  	[smem:$0x3FB5] =	sst s0;
	s0 =	simm.s32 @!p2 $0x0  }
0x16: {  	s3 =	sld [smem:$0x3FDB];
	s0 =	simm.s32 @p2 $0x1  }
0x17: {  	s4 =	simm.s32 $0x1BF5;
	[smem:$0x3FB7] =	sst s0  }
0x18: {  	s0 =	sld [smem:$0x3F9A];
	_ =	swait.ge [sflag:s4], $0x0  }
0x19: {  	s7 =	sld [smem:$0x3F9B]  }
0x1a: {  	s8 =	sadd.s32 $0xFFFFE003, lr  }
0x1b: {  	s9 =	sadd.s32 $0xFFFFFEF7, lr;
	s5 =	simm.s32 $0xFFFFFFFF;
	p2 =	slt.u32 s8, $0xFFFFF086  }
0x1c: {  	p1 =	slt.u32 s9, $0xF7A;
	s5 =	simm.s32 @!p2 $0x0  }
0x1d: {  	s5 =	simm.s32 @p1 $0x1;
	p0 =	seq.s32 s7, s2  }
0x1e: {  	s7 =	smul.u32 @!p0 $0xF7A, s2;
	p2 =	seq.s32 @!p0 s5, $0x0  }
0x1f: {  	s9 =	smul.u32 $0xF7A, s1;
	s8 =	simm.s32 @!p0 $0x1BF5;
	p2 =	por !p2, p0  }
0x20: {  	[sflag:s8] =	ssyncset.s32 @!p0 $0xFFFFF086;
	s6 =	sadd.s32 @!p0 s3, s7;
	s7 =	simm.s32 @!p0 $0x108  }
0x21: {  	s3 =	sadd.s32 s3, s9;
	s6 =	sadd.s32 @!p0 $0x88, s6;
	s7 =	simm.s32 @p2 $0x1082  }
0x22: {  	[simem:s7], [sflag:s8] =	dma.local @!p0 [hbm:s6], $0xF7A  }
0x23: {  	s9 =	sor.u32 $0xD0000000, s2;
	s6 =	simm.s32 $0x108;
	_ =	swait.ge @!p0 [sflag:s8], $0x0  }
0x24: {  	s3 =	sadd.s32 $0x88, s3;
	s6 =	simm.s32 @!p1 $0x1082;
	[sflag:s4] =	ssyncset.s32 $0xFFFFF086  }
0x25: {  	[simem:s6], [sflag:s4] =	dma.local [hbm:s3], $0xF7A  }
0x26: {  	[smem:$0x3F9B] =	sst s1;
	(tag) =	ssettag s2;
	_ =	strace s9  }
0x27: {  	s1 =	sld [smem:$0x3FAB]  }
0x28: {  	s2 =	sld [smem:$0x3FAC]  }
0x29: {  	s4 =	sld [smem:$0x3FAE]  }
0x2a: {  	p0 =	seq.s32 s5, $0x0;
	s5 =	sld [smem:$0x3FAF]  }
0x2b: {  	s6 =	sld [smem:$0x3FB0]  }
0x2c: {  	s7 =	sld [smem:$0x3FB1]  }
0x2d: {  	s3 =	simm.s32 $0x108;
	s8 =	sld [smem:$0x3FB2]  }
0x2e: {  	s3 =	simm.s32 @!p0 $0x1082;
	s9 =	sld [smem:$0x3FB3]  }
0x2f: {  	lr =	sadd.s32 s0, s3;
	s0 =	sld [smem:$0x3FAA]  }
0x30: {  	s3 =	sld [smem:$0x3FAD]  }
0x31: {  	[smem:$0x3FB6] =	sst s10  }
0x32: {  	s10 =	sld [smem:$0x3FB4];
	_ =	sdelay $0x3  }
0x33: {  	p0 =	seq.s32 s10, $0x1;
	s10 =	sld [smem:$0x3FB6];
	_ =	sdelay $0x3  }
0x34: {  	[smem:$0x3FB6] =	sst s10  }
0x35: {  	s10 =	sld [smem:$0x3FB5];
	_ =	sdelay $0x3  }
0x36: {  	p1 =	seq.s32 s10, $0x1;
	s10 =	sld [smem:$0x3FB6];
	_ =	sdelay $0x3  }
0x37: {  	[smem:$0x3FB6] =	sst s10  }
0x38: {  	s10 =	sld [smem:$0x3FB7]  }
0x39: {  	_ = 	snop;
	(pc) =	sbr.ind lr, $3  }
0x3a: {  	_ = 	snop  }
0x3b: {  	_ = 	snop  }
0x3c: {  	p2 =	seq.s32 s10, $0x1;
	s10 =	sld [smem:$0x3FB6]  }
0x3d: {  	_ =	shalt  }
0x3e: {  	_ =	shalt  }
0x3f: {  	_ =	shalt  }
0x40: {  	_ =	shalt  }
0x41: {  	_ =	shalt  }
0x42: {  	_ =	shalt  }
0x43: {  	_ =	shalt  }
0x44: {  	_ =	shalt  }
0x45: {  	_ =	shalt  }
0x46: {  	_ =	shalt  }
0x47: {  	_ =	shalt  }
0x48: {  	_ =	shalt  }
0x49: {  	_ =	shalt  }
0x4a: {  	_ =	shalt  }
0x4b: {  	_ =	shalt  }
0x4c: {  	_ =	shalt  }
0x4d: {  	_ =	shalt  }
0x4e: {  	_ =	shalt  }
0x4f: {  	_ =	shalt  }
0x50: {  	_ =	shalt  }
0x51: {  	_ =	shalt  }
0x52: {  	_ =	shalt  }
0x53: {  	_ =	shalt  }
0x54: {  	_ =	shalt  }
0x55: {  	_ =	shalt  }
0x56: {  	_ =	shalt  }
0x57: {  	_ =	shalt  }
0x58: {  	_ =	shalt  }
0x59: {  	_ =	shalt  }
0x5a: {  	_ =	shalt  }
0x5b: {  	_ =	shalt  }
0x5c: {  	_ =	shalt  }
0x5d: {  	_ =	shalt  }
0x5e: {  	_ =	shalt  }
0x5f: {  	_ =	shalt  }
0x60: {  	_ =	shalt  }
0x61: {  	_ =	shalt  }
0x62: {  	_ =	shalt  }
0x63: {  	_ =	shalt  }
0x64: {  	_ =	shalt  }
0x65: {  	_ =	shalt  }
0x66: {  	_ =	shalt  }
0x67: {  	_ =	shalt  }
0x68: {  	_ =	shalt  }
0x69: {  	_ =	shalt  }
0x6a: {  	_ =	shalt  }
0x6b: {  	_ =	shalt  }
0x6c: {  	_ =	shalt  }
0x6d: {  	_ =	shalt  }
0x6e: {  	_ =	shalt  }
0x6f: {  	_ =	shalt  }
0x70: {  	_ =	shalt  }
0x71: {  	_ =	shalt  }
0x72: {  	_ =	shalt  }
0x73: {  	_ =	shalt  }
0x74: {  	_ =	shalt  }
0x75: {  	_ =	shalt  }
0x76: {  	_ =	shalt  }
0x77: {  	_ =	shalt  }
0x78: {  	_ =	shalt  }
0x79: {  	_ =	shalt  }
0x7a: {  	_ =	shalt  }
0x7b: {  	_ =	shalt  }
0x7c: {  	_ =	shalt  }
0x7d: {  	_ =	shalt  }
0x7e: {  	_ =	shalt  }
0x7f: {  	_ =	shalt  }
0x80: {  	_ =	shalt  }
0x81: {  	_ =	shalt  }
0x82: {  	_ =	shalt  }
0x83: {  	_ =	shalt  }
0x84: {  	_ =	shalt  }
0x85: {  	_ =	shalt  }
0x86: {  	_ =	shalt  }
0x87: {  	_ =	shalt  }
.Lfunc_end0:
.L_simem_size_0:
called_computation_lowered:
.L_overlay_start_0:
0x88: {  	s2 =	sld [smem:$0x3FD9]  }
0x89: {  	s3 =	sld [smem:$0x3FFE];
	_ =	sdelay $0x1  }
0x8a: {  	s1 =	srdreg.scid  }
0x8b: {  	s0 =	sand.u32 $0x1, s1  }
0x8c: {  	s16 =	sshll.u32 s0, $0xA;
	s2 =	sadd.s32 s3, s2  }
0x8d: {  	s2 =	sadd.s32 s2, s16  }
0x8e: {  	[smem:$0x3FC2] =	sst s2  }
0x8f: {  	_ = 	snop  }
0x90: {  	(tm) =	ssettm $0x1  }
0x91: {  	s17 =	sld [smem:$0x3FFB];
	_ =	sdelay $0x3  }
0x92: {  	_ =	strace s17  }
0x93: {  	s2 =	sld [smem:$0x3FFC];
	_ =	sdelay $0x3  }
0x94: {  	_ =	strace s2  }
0x95: {  	s2 =	sld [smem:$0x3FFD];
	_ =	sdelay $0x3  }
0x96: {  	_ =	strace s2  }
0x97: {  	_ =	strace $0x8FFFFFFF  }
0x98: {  	s18 =	sld [smem:$0x3FDB];
	_ =	sdelay $0x1  }
0x99: {  	s19 =	simm.s32 $_scs_section_size  }
0x9a: {  	s4 =	simm.s32 $_size__tile_overlayer_lowered;
	s5 =	simm.s32 $_tile_overlayer_lowered  }
0x9b: {  	s22 =	simm.s32 $0x1BFF;
	s21 =	sshll.u32 s5, $0x1;
	s2 =	sadd.s32 s19, s18  }
0x9c: {  	s6 =	simm.s32 $0x0;
	s20 =	sshll.u32 s4, $0x1;
	s4 =	sadd.s32 s21, s2  }
0x9d: {  	[timem:s6], [sflag:s22] =	dma.local [hbm:s4], s20  }
0x9e: {  	_ =	swait.ge [sflag:s22], s20  }
0x9f: {  	s3 =	ssub.s32 $0x0, s20;
	[sflag:s22] =	ssyncset.done $0x0  }
0xa0: {  	[sflag:s22] =	ssyncadd.s32 s3;
	_ =	sdelay $0x1  }
0xa1: {  	s23 =	simm.s32 $0x1B8B  }
0xa2: {  	_ =	swait.ge [sflag:s23], $0x1  }
0xa3: {  	[sflag:s23] =	ssyncset.done $0x0  }
0xa4: {  	s25 =	simm.s32 $0x1B8E;
	s24 =	sld [smem:$0x3FFE];
	[sflag:s23] =	ssyncadd.s32 $0xFFFFFFFF  }
0xa5: {  	s26 =	simm.s32 $execute0_lowered;
	[smem:$0x3FD2] =	sst s25  }
0xa6: {  	s4 =	sshll.u32 s26, $0x1;
	_ =	strace $0x80000046;
	[dreg:$0x1] =	wrdreg $0xFFFFFFFF  }
0xa7: {  	s28 =	simm.s32 $_size_execute0_lowered;
	s2 =	sadd.s32 s2, s4;
	[dreg:$0x0] =	wrdreg $0x0  }
0xa8: {  	s4 =	sshll.u32 s28, $0x1;
	[dreg:$0x2] =	wrdreg s2  }
0xa9: {  	[dreg:$0x3] =	wrdreg s4  }
0xaa: {  	[dreg:$0x4] =	wrdreg $0xC0  }
0xab: {  	_ =	task [dreg:s6], $0x5FFFF  }
0xac: {  	[dreg:$0x1] =	wrdreg $0xFFFFFFFF  }
0xad: {  	[dreg:$0x0] =	wrdreg $0x60  }
0xae: {  	[dreg:$0x2] =	wrdreg s24  }
0xaf: {  	[dreg:$0x3] =	wrdreg $0x12800  }
0xb0: {  	[dreg:$0x4] =	wrdreg $0x9  }
0xb1: {  	_ =	task.clear_ibuf [dreg:s6], $0x5FFFF;
	_ =	strace $0x90000046  }
0xb2: {  	s29 =	simm.s32 $0x9;
	_ =	strace $0x80000048  }
0xb3: {  	_ =	swait.ge [sflag:s29], $0x1  }
0xb4: {  	[sflag:s29] =	ssyncadd.s32 $0xFFFFFFFF  }
0xb5: {  	_ =	strace $0x90000048  }
0xb6: {  	_ =	sfence  }
0xb7: {  	s30 =	sld [smem:$0x0];
	_ =	sdelay $0x2  }
0xb8: {  	s31 =	sshll.u32 s1, $0xD;
	s1 =	sshrl.u32 s1, $0x2  }
0xb9: {  	s3 =	sand.u32 $0x4000, s31;
	s1 =	sadd.s32 s1, s30  }
0xba: {  	s0 =	sor.u32 s3, s0;
	s1 =	sshll.u32 s1, $0x11  }
0xbb: {  	s0 =	sor.u32 s1, s0  }
0xbc: {  	s0 =	sadd.s32 $0x8F2B, s0  }
0xbd: {  	[sflag:s0] =	ssyncadd.remote.s32 $0x1  }
0xbe: {  	_ =	sfence.sel $0xFFFF  }
0xbf: {  	[dreg:$0x0] =	wrdreg $0xFFFFFFFF;
	(pc) =	sbr.abs _section_cstart, $3  }
0xc0: {  	[dreg:$0x1] =	wrdreg $0xFFFFFFFF  }
0xc1: {  	_ =	task.clear_ibuf [dreg:s6], $0x2FFFF;
	_ =	strace $0x9FFFFFFF  }
0xc2: {  	(tm) =	ssettm $0x7FFFFFFF  }
0xc3: {  	_ =	shalt  }
tec
execute0_lowered:
.L_overlay_start_1:
0x0: {  	(tag) =	ssettag $0x1  }
0x1: {  	s4 =	rddreg [dreg:$0x0];
	s0 =	srdreg.scid  }
0x2: {  	s2 =	rddreg [dreg:$0x1];
	s1 =	stileid.u32  }
0x3: {  	s3 =	simm.s32 $0x0;
	s12 =	simm.s32 $0x1000;
	s13 =	simm.s32 $0x1  }
0x4: {  	s14 =	simm.s32 $0x7D0;
	s15 =	simm.s32 $0x800;
	s7 =	smul.u32 $0x2710, s1  }
0x5: {  	s18 =	simm.s32 $0x80;
	s5 =	sand.u32 $0x1, s0;
	s28 =	smul.u32 $0xA00, s1  }
0x6: {  	s19 =	simm.s32 $0x10;
	s20 =	simm.s32 $0x0;
	s6 =	smul.u32 $0x27100, s5  }
0x7: {  	s0 =	rddreg [dreg:$0x2];
	s9 =	sshrl.u32 s1, $0x3;
	s8 =	smul.u32 $0x2800, s5  }
0x8: {  	[smem:$0x7FF] =	sst s3;
	s26 =	sshll.u32 s1, $0x7;
	s9 =	smul.u32 $0x1400, s9  }
0x9: {  	s16 =	sshll.u32 s1, $0x6;
	_ =	strace $0x80000047;
	s5 =	ssub.s32 $0x2, s5  }
0xa: {  	s6 =	sadd.s32 s7, s6;
	s8 =	sadd.s32 s8, s9;
	s7 =	sand.u32 $0x380, s26  }
0xb: {  	s16 =	sor.u32 $0x1C01, s16;
	s30 =	sshrl.u32 s5, $0x1;
	s7 =	sor.u32 s7, s8  }
0xc: {  	s31 =	sshrl.u32 s28, $0x2;
	s6 =	sshrl.u32 s6, $0x3;
	s29 =	sshrl.u32 s7, $0x3  }
0xd: {  	s11 =	sadd.s32 s6, s4;
	s7 =	ssub.s32 s5, s30;
	s6 =	sadd.s32 s29, s4  }
0xe: {  	s4 =	sadd.s32 s31, s2;
	s7 =	smax.u32 s7, $0x1;
	s8 =	sadd.s32 $0x2EFA, s11  }
0xf: {  	s9 =	sadd.s32 $0x2FF4, s11;
	s10 =	sadd.s32 $0x30EE, s11;
	s5 =	sadd.s32 $0xCC00, s6  }
0x10: {  	v0 =	vimm.f32 $0.0e+00;
	v1 =	vimm.f32 $1.000000000e+00;
	s6 =	sadd.s32 $0x2E00, s11;
	s11 =	sadd.s32 $0x31E8, s11;
	s17 =	sshrl.u32 s4, $0x3  }
.LBB2_1:
0x11: {  	[tilespmem:$0x1000] =	vst v0  }
0x12: {  	[tilespmem:$0x1010] =	vst v0  }
0x13: {  	[tilespmem:$0x1020] =	vst v0  }
0x14: {  	[tilespmem:$0x1030] =	vst v0  }
0x15: {  	[tilespmem:$0x1040] =	vst v0  }
0x16: {  	[tilespmem:$0x1050] =	vst v0  }
0x17: {  	[tilespmem:$0x1060] =	vst v0  }
0x18: {  	[tilespmem:$0x1070] =	vst v0  }
0x19: {  	[tilespmem:$0x1080] =	vst v0  }
0x1a: {  	[tilespmem:$0x1090] =	vst v0  }
0x1b: {  	[tilespmem:$0x10A0] =	vst v0  }
0x1c: {  	[tilespmem:$0x10B0] =	vst v0  }
0x1d: {  	[tilespmem:$0x10C0] =	vst v0  }
0x1e: {  	[tilespmem:$0x10D0] =	vst v0  }
0x1f: {  	[tilespmem:$0x10E0] =	vst v0  }
0x20: {  	[tilespmem:$0x10F0] =	vst v0  }
0x21: {  	[tilespmem:$0x1100] =	vst v0  }
0x22: {  	[tilespmem:$0x1110] =	vst v0  }
0x23: {  	[tilespmem:$0x1120] =	vst v0  }
0x24: {  	[tilespmem:$0x1130] =	vst v0  }
0x25: {  	[tilespmem:$0x1140] =	vst v0  }
0x26: {  	[tilespmem:$0x1150] =	vst v0  }
0x27: {  	[tilespmem:$0x1160] =	vst v0  }
0x28: {  	[tilespmem:$0x1170] =	vst v0  }
0x29: {  	[tilespmem:$0x1180] =	vst v0  }
0x2a: {  	[tilespmem:$0x1190] =	vst v0  }
0x2b: {  	[tilespmem:$0x11A0] =	vst v0  }
0x2c: {  	[tilespmem:$0x11B0] =	vst v0  }
0x2d: {  	[tilespmem:$0x11C0] =	vst v0  }
0x2e: {  	[tilespmem:$0x11D0] =	vst v0  }
0x2f: {  	[tilespmem:$0x11E0] =	vst v0  }
0x30: {  	[tilespmem:$0x11F0] =	vst v0  }
0x31: {  	[tilespmem:$0x1200] =	vst v0  }
0x32: {  	[tilespmem:$0x1210] =	vst v0  }
0x33: {  	[tilespmem:$0x1220] =	vst v0  }
0x34: {  	[tilespmem:$0x1230] =	vst v0  }
0x35: {  	[tilespmem:$0x1240] =	vst v0  }
0x36: {  	[tilespmem:$0x1250] =	vst v0  }
0x37: {  	[tilespmem:$0x1260] =	vst v0  }
0x38: {  	[tilespmem:$0x1270] =	vst v0;
	s21 =	simm.s32 $0x40;
	s22 =	simm.s32 $0x0  }
.LBB2_2:
0x39: {  	p0 =	sne.s32 s21, $0x1F00;
	[tilespmem:s22+$0x800] =	vst v1;
	s22 =	smov.u32 s21;
	s21 =	sadd.s32 $0x40, s21  }
.Ltmp0:
0x3a: {  	(pc) =	sbr.rel @p0 .LBB2_2-.Ltmp0, $2  }
0x3b: {  	_ =	sdelay $0x2  }
0x3c: {  	s22 =	sshra.s32 s22, $0x2  }
0x3d: {  	[tilespmem:s22+$0x800] =	vst v1  }
0x3e: {  	[spmem:s4] =	stream.linear.scatter [tilespmem:s12], [sflag:$0x1], $0x280, $0x38;
	[tilespmem:$0x1500] =	vst v63  }
0x3f: {  	_ =	swait.ge [sflag:s13], $0x280  }
0x40: {  	[sflag:s13] =	ssyncset.done $0x0  }
0x41: {  	[sflag:s13] =	ssyncadd.s32 $0xFFFFFD80  }
0x42: {  	[bflag:$0x0] =	sbarrier.arrive $0xFFFF  }
0x43: {  	[tilespmem:s3], [sflag:$0x1] =	stream.linear.gather [hbm4b:s6+s3], $0x7D0, $0x38;
	[tilespmem:$0x1500] =	vst v63  }
0x44: {  	_ =	swait.ge [sflag:s13], $0x7D0  }
0x45: {  	[sflag:s13] =	ssyncset.done $0x0  }
0x46: {  	[sflag:s13] =	ssyncadd.s32 $0xFFFFF830  }
0x47: {  	[spmem:s2] =	stream.indirect.scatter.add.f32 [tilespmem:s15], [sflag:$0x1], $0x1, s3, s14, $0xb8;
	[tilespmem:$0x1500] =	vst v63  }
0x48: {  	_ =	swait.ge [sflag:s13], $0x7D0  }
0x49: {  	[sflag:s13] =	ssyncset.done $0x0  }
0x4a: {  	[sflag:s13] =	ssyncadd.s32 $0xFFFFF830  }
0x4b: {  	[tilespmem:s3], [sflag:$0x1] =	stream.linear.gather [hbm4b:s8+s3], $0x7D0, $0x38;
	[tilespmem:$0x1500] =	vst v63  }
0x4c: {  	_ =	swait.ge [sflag:s13], $0x7D0  }
0x4d: {  	[sflag:s13] =	ssyncset.done $0x0  }
0x4e: {  	[sflag:s13] =	ssyncadd.s32 $0xFFFFF830  }
0x4f: {  	[spmem:s2] =	stream.indirect.scatter.add.f32 [tilespmem:s15], [sflag:$0x1], $0x1, s3, s14, $0xb8;
	[tilespmem:$0x1500] =	vst v63  }
0x50: {  	_ =	swait.ge [sflag:s13], $0x7D0  }
0x51: {  	[sflag:s13] =	ssyncset.done $0x0  }
0x52: {  	[sflag:s13] =	ssyncadd.s32 $0xFFFFF830  }
0x53: {  	[tilespmem:s3], [sflag:$0x1] =	stream.linear.gather [hbm4b:s9+s3], $0x7D0, $0x38;
	[tilespmem:$0x1500] =	vst v63  }
0x54: {  	_ =	swait.ge [sflag:s13], $0x7D0  }
0x55: {  	[sflag:s13] =	ssyncset.done $0x0  }
0x56: {  	[sflag:s13] =	ssyncadd.s32 $0xFFFFF830  }
0x57: {  	[spmem:s2] =	stream.indirect.scatter.add.f32 [tilespmem:s15], [sflag:$0x1], $0x1, s3, s14, $0xb8;
	[tilespmem:$0x1500] =	vst v63  }
0x58: {  	_ =	swait.ge [sflag:s13], $0x7D0  }
0x59: {  	[sflag:s13] =	ssyncset.done $0x0  }
0x5a: {  	[sflag:s13] =	ssyncadd.s32 $0xFFFFF830  }
0x5b: {  	[tilespmem:s3], [sflag:$0x1] =	stream.linear.gather [hbm4b:s10+s3], $0x7D0, $0x38;
	[tilespmem:$0x1500] =	vst v63  }
0x5c: {  	_ =	swait.ge [sflag:s13], $0x7D0  }
0x5d: {  	[sflag:s13] =	ssyncset.done $0x0  }
0x5e: {  	[sflag:s13] =	ssyncadd.s32 $0xFFFFF830  }
0x5f: {  	[spmem:s2] =	stream.indirect.scatter.add.f32 [tilespmem:s15], [sflag:$0x1], $0x1, s3, s14, $0xb8;
	[tilespmem:$0x1500] =	vst v63  }
0x60: {  	_ =	swait.ge [sflag:s13], $0x7D0  }
0x61: {  	[sflag:s13] =	ssyncset.done $0x0  }
0x62: {  	[sflag:s13] =	ssyncadd.s32 $0xFFFFF830  }
0x63: {  	[tilespmem:s3], [sflag:$0x1] =	stream.linear.gather [hbm4b:s11+s3], $0x7D0, $0x38;
	[tilespmem:$0x1500] =	vst v63  }
0x64: {  	_ =	swait.ge [sflag:s13], $0x7D0  }
0x65: {  	[sflag:s13] =	ssyncset.done $0x0  }
0x66: {  	[sflag:s13] =	ssyncadd.s32 $0xFFFFF830  }
0x67: {  	[spmem:s2] =	stream.indirect.scatter.add.f32 [tilespmem:s15], [sflag:$0x1], $0x1, s3, s14, $0xb8;
	[tilespmem:$0x1500] =	vst v63  }
0x68: {  	_ =	swait.ge [sflag:s13], $0x7D0  }
0x69: {  	s20 =	sadd.s32 $0x1, s20;
	[sflag:s13] =	ssyncset.done $0x0  }
0x6a: {  	p0 =	sne.s32 s20, s7;
	[sflag:s13] =	ssyncadd.s32 $0xFFFFF830  }
.Ltmp1:
0x6b: {  	[bflag:$0x0] =	sbarrier.arrive $0xFFFF;
	(pc) =	sbr.rel @p0 .LBB2_1-.Ltmp1, $4  }
0x6c: {  	[hbm:s5@s18], [sflag:s16] =	dma.strided [spmem:s17@s19], $0x50, s13, $0x10   }
0x6d: {  	_ =	swait.ge [sflag:s13], $0x50  }
0x6e: {  	[sflag:s13] =	ssyncset.done $0x0  }
0x6f: {  	[sflag:s13] =	ssyncadd.s32 $0xFFFFFFB0  }
0x70: {  	_ =	sfence.sel $0x180000  }
0x71: {  	[bflag:$0x0] =	sbarrier.arrive $0xFFFF  }
0x72: {  	p0 =	sne.s32 s1, $0x0;
	_ =	strace $0x90000047  }
0x73: {  	s0 =	sadd.s32 @!p0 $0x100000, s0;
	[bflag:$0x2] =	sbarrier.arrive $0xFFFF  }
0x74: {  	[sflag:s0] =	ssyncadd.tile.s32 @!p0 $0x1;
	_ =	shalt  }
.Lfunc_end2:
_tile_overlayer_lowered:
.L_overlay_start_2:
0x75: {  	(tag) =	ssettag $0x2  }
0x76: {  	s0 =	rddreg [dreg:$0x0];
	s2 =	stileid.u32  }
0x77: {  	s1 =	rddreg [dreg:$0x1];
	p0 =	sne.s32 s2, $0x0  }
0x78: {  	s3 =	rddreg [dreg:$0x2];
	[bflag:$0x3] =	sbarrier.arrive $0xFFFF;
	s2 =	simm.s32 @!p0 $0x1C01  }
0x79: {  	[timem:s3], [sflag:s2] =	dma.local @!p0 [hbm:s0], s1  }
0x7a: {  	s0 =	simm.s32 @!p0 $0x1  }
0x7b: {  	_ =	swait.ge @!p0 [sflag:s0], s1  }
0x7c: {  	s1 =	ssub.s32 @!p0 $0x0, s1;
	[sflag:s0] =	ssyncset.done @!p0 $0x0  }
0x7d: {  	[sflag:s0] =	ssyncadd.s32 @!p0 s1  }
0x7e: {  	[bflag:$0x3] =	sbarrier.arrive $0xFFFF  }
0x7f: {  	_ =	shalt  }

</sc_bundles>
